<compile_context>
chip_gen: v7x
topology: tpu7x:2x2x1
jax: 0.10.2.dev20260603
libtpu: 0.0.44.dev20260713+nightly
codegen_flags: <defaults>
</compile_context>

<pallas_src>
import functools

import jax
import jax.numpy as jnp
from jax import lax
from jax.experimental import pallas as pl
from jax.experimental.pallas import tpu as pltpu
from jax.experimental.pallas import tpu_sc as plsc

_EPS = 1e-5
_PREC = lax.Precision.HIGHEST


_SC_NC = 2
_SC_NS = 16
_NW = _SC_NC * _SC_NS


def _sc_gather(table, idx):
    m = idx.shape[0]
    d = table.shape[1]
    per_w = m // _NW
    ch = 512
    n_ch = per_w // ch
    mesh = plsc.VectorSubcoreMesh(core_axis_name="c", subcore_axis_name="s")

    @functools.partial(
        pl.kernel,
        mesh=mesh,
        compiler_params=pltpu.CompilerParams(use_tc_tiling_on_sc=False),
        out_type=jax.ShapeDtypeStruct((m, d), jnp.float32),
        scratch_types=[
            pltpu.VMEM((per_w,), jnp.int32),
            pltpu.VMEM((ch, d), jnp.float32),
            pltpu.VMEM((ch, d), jnp.float32),
            pltpu.SemaphoreType.DMA,
            pltpu.SemaphoreType.DMA,
        ],
    )
    def k(table_hbm, idx_hbm, out_hbm, idx_v, buf0, buf1, sem0, sem1):
        wid = lax.axis_index("s") * _SC_NC + lax.axis_index("c")
        base = wid * per_w
        pltpu.sync_copy(idx_hbm.at[pl.ds(base, per_w)], idx_v)
        bufs = (buf0, buf1)
        sems = (sem0, sem1)
        cp = pltpu.async_copy(
            table_hbm.at[idx_v.at[pl.ds(0, ch)]], bufs[0], sems[0])
        for c in range(n_ch):
            nxt = None
            if c + 1 < n_ch:
                nxt = pltpu.async_copy(
                    table_hbm.at[idx_v.at[pl.ds((c + 1) * ch, ch)]],
                    bufs[(c + 1) % 2], sems[(c + 1) % 2])
            cp.wait()
            pltpu.sync_copy(bufs[c % 2], out_hbm.at[pl.ds(base + c * ch, ch)])
            cp = nxt

    return k(table, idx)




def _pre_body(x_ref, w_ref, b_ref, o_ref):
    o_ref[...] = (
        jnp.dot(x_ref[...], w_ref[...],
                preferred_element_type=jnp.float32, precision=_PREC)
        + b_ref[...])


def _stats0_body(g_ref, u_ref, o_ref, acc):
    j = pl.program_id(0)

    @pl.when(j == 0)
    def _():
        acc[...] = jnp.zeros_like(acc)

    h = g_ref[...] + u_ref[...]
    acc[0:1] += jnp.sum(h, axis=0, keepdims=True)
    acc[1:2] += jnp.sum(h * h, axis=0, keepdims=True)

    @pl.when(j == pl.num_programs(0) - 1)
    def _():
        o_ref[...] = acc[...]


def _affine(stats_ref, gb_ref, m_rows):
    s = stats_ref[...]
    mean = s[0:1] * (1.0 / m_rows)
    var = s[1:2] * (1.0 / m_rows) - mean * mean
    inv = lax.rsqrt(var + _EPS)
    a = inv * gb_ref[0:1]
    b = gb_ref[1:2] - mean * a
    return a, b


def _l1_body(m_rows, g_ref, u_ref, v1_ref, s0_ref, gb0_ref, w1_ref,
             o_ref, so_ref, acc):
    j = pl.program_id(0)
    a0, b0 = _affine(s0_ref, gb0_ref, m_rows)
    h0 = g_ref[...] + u_ref[...]
    h0n = jnp.maximum(h0 * a0 + b0, 0.0)
    h1 = (jnp.dot(h0n, w1_ref[...],
                  preferred_element_type=jnp.float32, precision=_PREC)
          + v1_ref[...])
    o_ref[...] = h1

    @pl.when(j == 0)
    def _():
        acc[...] = jnp.zeros_like(acc)

    acc[0:1] += jnp.sum(h1, axis=0, keepdims=True)
    acc[1:2] += jnp.sum(h1 * h1, axis=0, keepdims=True)

    @pl.when(j == pl.num_programs(0) - 1)
    def _():
        so_ref[...] = acc[...]


def _l2_body(m_rows, g_ref, u_ref, h1_ref, v2_ref, s0_ref, s1_ref,
             gb0_ref, gb1_ref, w2a_ref, w2b_ref, o_ref, so_ref, acc):
    j = pl.program_id(0)
    a0, b0 = _affine(s0_ref, gb0_ref, m_rows)
    a1, b1 = _affine(s1_ref, gb1_ref, m_rows)
    h0n = jnp.maximum((g_ref[...] + u_ref[...]) * a0 + b0, 0.0)
    h1n = jnp.maximum(h1_ref[...] * a1 + b1, 0.0)
    h2 = (jnp.dot(h1n, w2a_ref[...],
                  preferred_element_type=jnp.float32, precision=_PREC)
          + jnp.dot(h0n, w2b_ref[...],
                    preferred_element_type=jnp.float32, precision=_PREC)
          + v2_ref[...])
    o_ref[...] = h2

    @pl.when(j == 0)
    def _():
        acc[...] = jnp.zeros_like(acc)

    acc[0:1] += jnp.sum(h2, axis=0, keepdims=True)
    acc[1:2] += jnp.sum(h2 * h2, axis=0, keepdims=True)

    @pl.when(j == pl.num_programs(0) - 1)
    def _():
        so_ref[...] = acc[...]


def _l3_body(m_rows, g_ref, u_ref, h1_ref, h2_ref, v3_ref,
             s0_ref, s1_ref, s2_ref, gb0_ref, gb1_ref, gb2_ref,
             w3a_ref, w3b_ref, w3c_ref, o3_ref, o2_ref, o1_ref, o0_ref):
    k = pl.program_id(1)
    a0, b0 = _affine(s0_ref, gb0_ref, m_rows)
    a1, b1 = _affine(s1_ref, gb1_ref, m_rows)
    a2, b2 = _affine(s2_ref, gb2_ref, m_rows)
    h0n = jnp.maximum((g_ref[...] + u_ref[...]) * a0 + b0, 0.0)
    h1n = jnp.maximum(h1_ref[...] * a1 + b1, 0.0)
    h2n = jnp.maximum(h2_ref[...] * a2 + b2, 0.0)
    h3 = (jnp.dot(h2n, w3a_ref[...],
                  preferred_element_type=jnp.float32, precision=_PREC)
          + jnp.dot(h1n, w3b_ref[...],
                    preferred_element_type=jnp.float32, precision=_PREC)
          + jnp.dot(h0n, w3c_ref[...],
                    preferred_element_type=jnp.float32, precision=_PREC)
          + v3_ref[...])

    @pl.when(k == 0)
    def _():
        o3_ref[...] = h3
        o2_ref[...] = h2n
        o1_ref[...] = h1n
        o0_ref[...] = h0n

    @pl.when(k > 0)
    def _():
        o3_ref[...] = jnp.maximum(o3_ref[...], h3)
        o2_ref[...] = jnp.maximum(o2_ref[...], h2n)
        o1_ref[...] = jnp.maximum(o1_ref[...], h1n)
        o0_ref[...] = jnp.maximum(o0_ref[...], h0n)




def kernel(x, pos, knn_idx, W0, b0, g0, be0, W1, b1, g1, be1, W2, b2, g2,
           be2, W3, b3):
    del pos
    B, N, C = x.shape
    K = knn_idx.shape[2]
    G = W0.shape[1]
    P = B * N
    M = P * K
    f32 = jnp.float32

    x2d = x.reshape(P, C)

    w0x, w0n, w0d = W0[:C], W0[C:2 * C], W0[2 * C:]
    wz = w0n + w0d
    wu = w0x - w0d
    w1a, w1x = W1[:G], W1[G:]
    w2a, w2b, w2x = W2[:G], W2[G:2 * G], W2[2 * G:]
    w3a, w3b, w3c, w3x = W3[:G], W3[G:2 * G], W3[2 * G:3 * G], W3[3 * G:]
    wcat = jnp.concatenate([wz, wu, w1x, w2x, w3x], axis=1)
    bcat = jnp.concatenate(
        [jnp.zeros_like(b0), b0, b1, b2, b3]).reshape(1, 5 * G)
    gb0 = jnp.stack([g0, be0])
    gb1 = jnp.stack([g1, be1])
    gb2 = jnp.stack([g2, be2])

    RP = 4096
    pre = pl.pallas_call(
        _pre_body,
        grid=(P // RP,),
        in_specs=[
            pl.BlockSpec((RP, C), lambda j: (j, 0)),
            pl.BlockSpec((C, 5 * G), lambda j: (0, 0)),
            pl.BlockSpec((1, 5 * G), lambda j: (0, 0)),
        ],
        out_specs=pl.BlockSpec((RP, 5 * G), lambda j: (j, 0)),
        out_shape=jax.ShapeDtypeStruct((P, 5 * G), f32),
    )(x2d, wcat, bcat)
    z0 = pre[:, :G]
    u0 = pre[:, G:2 * G]
    v1 = pre[:, 2 * G:3 * G]
    v2 = pre[:, 3 * G:4 * G]
    v3 = pre[:, 4 * G:]

    idxf = (knn_idx + (jnp.arange(B, dtype=jnp.int32) * N)[:, None, None])
    idxf = idxf.transpose(2, 0, 1).reshape(M)

    g0rows = _sc_gather(z0, idxf)

    R = 2048
    nb = M // R
    npb = P // R

    def espec(width=G):
        return pl.BlockSpec((R, width), lambda j: (j, 0))

    def pspec():
        return pl.BlockSpec((R, G), lambda j: (lax.rem(j, npb), 0))

    def wspec(shape):
        return pl.BlockSpec(shape, lambda j: (0, 0))

    stats0 = pl.pallas_call(
        _stats0_body,
        grid=(nb,),
        in_specs=[espec(), pspec()],
        out_specs=pl.BlockSpec((2, G), lambda j: (0, 0)),
        out_shape=jax.ShapeDtypeStruct((2, G), f32),
        scratch_shapes=[pltpu.VMEM((2, G), f32)],
    )(g0rows, u0)

    h1, stats1 = pl.pallas_call(
        functools.partial(_l1_body, float(M)),
        grid=(nb,),
        in_specs=[espec(), pspec(), pspec(), wspec((2, G)), wspec((2, G)),
                  wspec((G, G))],
        out_specs=[espec(), pl.BlockSpec((2, G), lambda j: (0, 0))],
        out_shape=[jax.ShapeDtypeStruct((M, G), f32),
                   jax.ShapeDtypeStruct((2, G), f32)],
        scratch_shapes=[pltpu.VMEM((2, G), f32)],
    )(g0rows, u0, v1, stats0, gb0, w1a)

    h2, stats2 = pl.pallas_call(
        functools.partial(_l2_body, float(M)),
        grid=(nb,),
        in_specs=[espec(), pspec(), espec(), pspec(), wspec((2, G)),
                  wspec((2, G)), wspec((2, G)), wspec((2, G)),
                  wspec((G, G)), wspec((G, G))],
        out_specs=[espec(), pl.BlockSpec((2, G), lambda j: (0, 0))],
        out_shape=[jax.ShapeDtypeStruct((M, G), f32),
                   jax.ShapeDtypeStruct((2, G), f32)],
        scratch_shapes=[pltpu.VMEM((2, G), f32)],
    )(g0rows, u0, h1, v2, stats0, stats1, gb0, gb1, w2a, w2b)

    RQ = 2048
    nq = P // RQ

    def eqspec():
        return pl.BlockSpec((RQ, G), lambda pb, k: (k * nq + pb, 0))

    def pqspec():
        return pl.BlockSpec((RQ, G), lambda pb, k: (pb, 0))

    def wqspec(shape):
        return pl.BlockSpec(shape, lambda pb, k: (0, 0))

    outs = pl.pallas_call(
        functools.partial(_l3_body, float(M)),
        grid=(nq, K),
        in_specs=[eqspec(), pqspec(), eqspec(), eqspec(), pqspec(),
                  wqspec((2, G)), wqspec((2, G)), wqspec((2, G)),
                  wqspec((2, G)), wqspec((2, G)), wqspec((2, G)),
                  wqspec((G, G)), wqspec((G, G)), wqspec((G, G))],
        out_specs=[pqspec(), pqspec(), pqspec(), pqspec()],
        out_shape=[jax.ShapeDtypeStruct((P, G), f32)] * 4,
    )(g0rows, u0, h1, h2, v3, stats0, stats1, stats2, gb0, gb1, gb2,
      w3a, w3b, w3c)
    o3, o2, o1, o0 = outs

    y = jnp.concatenate([o3, o2, o1, o0, x2d], axis=1).reshape(B, N, 5 * G)
    return (y, knn_idx)

# --- scband reference (transcript-rebuilt; emitter-appended) ---
"""Pipeline reference for scband-graph-conv-15075335209704 (READ-ONLY COPY).

The authoritative reference and input builder live on the scoring server;
editing this copy changes nothing except your own understanding.
"""

import jax, jax.numpy as jnp
import numpy as np

EPS = 1e-5

def _fc(h, W, b, g, be, act=True):
    h = h @ W + b
    if g is not None:
        mean = h.mean(axis=(0, 1, 2), keepdims=True)
        var = h.var(axis=(0, 1, 2), keepdims=True)
        h = g * (h - mean) / jnp.sqrt(var + EPS) + be
    if act:
        h = jax.nn.relu(h)
    return h

def setup_inputs(seed: int = 0) -> dict:
    key = jax.random.key(seed)
    ks = jax.random.split(key, 16)
    B, N, K, C, G = 4, 4096, 16, 64, 64
    inp = {}
    inp['x'] = jax.random.normal(ks[0], (B, N, C), dtype=jnp.float32)
    inp['pos'] = jax.random.normal(ks[1], (B, N, 3), dtype=jnp.float32)
    inp['knn_idx'] = jax.random.randint(ks[2], (B, N, K), 0, N, dtype=jnp.int32)
    d_ins = [3 * C, C + G, C + 2 * G, C + 3 * G]
    for i, d_in in enumerate(d_ins):
        inp['W%d' % i] = jax.random.normal(ks[3 + i], (d_in, G), dtype=jnp.float32) * (1.0 / np.sqrt(d_in))
        inp['b%d' % i] = jnp.zeros((G,), dtype=jnp.float32)
        if i < 3:
            inp['g%d' % i] = jnp.ones((G,), dtype=jnp.float32)
            inp['be%d' % i] = jnp.zeros((G,), dtype=jnp.float32)
    return inp

def reference(x, pos, knn_idx, W0, b0, g0, be0, W1, b1, g1, be1, W2, b2, g2, be2, W3, b3):
    # knn_group: gather neighbor features (B, N, K, C)
    knn_feat = jax.vmap(lambda xb, ib: xb[ib])(x, knn_idx)
    x_tiled = jnp.broadcast_to(x[:, :, None, :], knn_feat.shape)
    # relative_feat_only=False branch
    edge_feat = jnp.concatenate([x_tiled, knn_feat, knn_feat - x_tiled], axis=3)
    y = jnp.concatenate([_fc(edge_feat, W0, b0, g0, be0), x_tiled], axis=-1)
    y = jnp.concatenate([_fc(y, W1, b1, g1, be1), y], axis=-1)
    y = jnp.concatenate([_fc(y, W2, b2, g2, be2), y], axis=-1)
    y = jnp.concatenate([_fc(y, W3, b3, None, None, act=False), y], axis=-1)
    y = y.max(axis=-2)  # 'max' aggregator over K
    return (y, knn_idx)

if __name__ == "__main__":
    import jax
    _d = setup_inputs()
    print(jax.jit(kernel)(*tuple(_d.values())))

</pallas_src>

<mosaic_0001>
#map = affine_map<(d0, d1) -> (0, 0)>
#map1 = affine_map<(d0, d1) -> (0)>
module attributes {stable_mosaic.version = 14 : i64} {
  func.func @k(%arg0: i32, %arg1: i32, %arg2: memref<16384x64xf32, #tpu.memory_space<hbm>>, %arg3: memref<262144xi32, #tpu.memory_space<hbm>>, %arg4: memref<262144x64xf32, #tpu.memory_space<hbm>>, %arg5: memref<8192xi32, #tpu.memory_space<vmem>>, %arg6: memref<512x64xf32, #tpu.memory_space<vmem>>, %arg7: memref<512x64xf32, #tpu.memory_space<vmem>>, %arg8: memref<!tpu.dma_semaphore, #tpu.memory_space<semaphore_mem>>, %arg9: memref<!tpu.dma_semaphore, #tpu.memory_space<semaphore_mem>>) attributes {dimension_semantics = [#tpu.dimension_semantics<core_parallel>, #tpu.dimension_semantics<subcore_parallel>], iteration_bounds = array<i64: 2, 16>, scalar_prefetch = 0 : i64, scratch_operands = 5 : i64, tpu.core_type = #tpu.core_type<sc_vector_subcore>, window_params = [{transform_indices = #map}, {transform_indices = #map1}, {transform_indices = #map}]} {
    %mul3A = arith.constant 2 : i32
    %mul3A_0 = arith.muli %arg1, %mul3A : i32
    %add3A = arith.addi %mul3A_0, %arg0 : i32
    %mul3A_1 = arith.constant 8192 : i32
    %mul3A_2 = arith.muli %add3A, %mul3A_1 : i32
    "tpu.region"() ({
      %run_scoped3A = tpu.sem_alloc : memref<!tpu.dma_semaphore, #tpu.memory_space<semaphore_mem>>
      %dma_start3A_193 = tpu.memref_slice %arg3[%mul3A_2] : memref<262144xi32, #tpu.memory_space<hbm>> -> memref<8192xi32, #tpu.memory_space<hbm>>
      %dma_start3A_194 = tpu.memref_slice %arg3[%mul3A_2] : memref<262144xi32, #tpu.memory_space<hbm>> -> memref<8192xi32, #tpu.memory_space<hbm>>
      tpu.enqueue_dma source(%dma_start3A_194 : memref<8192xi32, #tpu.memory_space<hbm>>) target(%arg5 : memref<8192xi32, #tpu.memory_space<vmem>>) target_semaphore(%run_scoped3A : memref<!tpu.dma_semaphore, #tpu.memory_space<semaphore_mem>>)
      %dma_wait3A_195 = tpu.memref_slice %arg3[%mul3A_2] : memref<262144xi32, #tpu.memory_space<hbm>> -> memref<8192xi32, #tpu.memory_space<hbm>>
      %dma_wait3A_196 = tpu.memref_slice %arg3[%mul3A_2] : memref<262144xi32, #tpu.memory_space<hbm>> -> memref<8192xi32, #tpu.memory_space<hbm>>
      tpu.wait_dma2 semaphore(%run_scoped3A : memref<!tpu.dma_semaphore, #tpu.memory_space<semaphore_mem>>) src(%dma_wait3A_196 : memref<8192xi32, #tpu.memory_space<hbm>>) dst(%arg5 : memref<8192xi32, #tpu.memory_space<vmem>>)
      tpu.yield
    }) : () -> ()
    %dma_start3A = arith.constant 0 : i32
    %dma_start3A_3 = tpu.memref_slice %arg5[%dma_start3A] : memref<8192xi32, #tpu.memory_space<vmem>> -> memref<512xi32, #tpu.memory_space<vmem>>
    %dma_start3A_4 = arith.constant 0 : i32
    %dma_start3A_5 = arith.constant 0 : i32
    %dma_start3A_6 = tpu.memref_slice %arg2[%dma_start3A_4, %dma_start3A_5] : memref<16384x64xf32, #tpu.memory_space<hbm>> -> memref<16384x64xf32, #tpu.memory_space<hbm>>
    tpu.enqueue_indirect_dma source(%dma_start3A_6 : memref<16384x64xf32, #tpu.memory_space<hbm>>) target(%arg6 : memref<512x64xf32, #tpu.memory_space<vmem>>) offsets(%dma_start3A_3 : memref<512xi32, #tpu.memory_space<vmem>>) semaphore(%arg8 : memref<!tpu.dma_semaphore, #tpu.memory_space<semaphore_mem>>)
    %dma_start3A_7 = arith.constant 512 : i32
    %dma_start3A_8 = tpu.memref_slice %arg5[%dma_start3A_7] : memref<8192xi32, #tpu.memory_space<vmem>> -> memref<512xi32, #tpu.memory_space<vmem>>
    %dma_start3A_9 = arith.constant 0 : i32
    %dma_start3A_10 = arith.constant 0 : i32
    %dma_start3A_11 = tpu.memref_slice %arg2[%dma_start3A_9, %dma_start3A_10] : memref<16384x64xf32, #tpu.memory_space<hbm>> -> memref<16384x64xf32, #tpu.memory_space<hbm>>
    tpu.enqueue_indirect_dma source(%dma_start3A_11 : memref<16384x64xf32, #tpu.memory_space<hbm>>) target(%arg7 : memref<512x64xf32, #tpu.memory_space<vmem>>) offsets(%dma_start3A_8 : memref<512xi32, #tpu.memory_space<vmem>>) semaphore(%arg9 : memref<!tpu.dma_semaphore, #tpu.memory_space<semaphore_mem>>)
    %dma_wait3A = arith.constant 0 : i32
    %dma_wait3A_12 = tpu.memref_slice %arg5[%dma_wait3A] : memref<8192xi32, #tpu.memory_space<vmem>> -> memref<512xi32, #tpu.memory_space<vmem>>
    %dma_wait3A_13 = arith.constant 0 : i32
    %dma_wait3A_14 = arith.constant 0 : i32
    %dma_wait3A_15 = tpu.memref_slice %arg2[%dma_wait3A_13, %dma_wait3A_14] : memref<16384x64xf32, #tpu.memory_space<hbm>> -> memref<16384x64xf32, #tpu.memory_space<hbm>>
    tpu.wait_indirect_dma semaphore(%arg8 : memref<!tpu.dma_semaphore, #tpu.memory_space<semaphore_mem>>) src(%dma_wait3A_15 : memref<16384x64xf32, #tpu.memory_space<hbm>>) dst(%arg6 : memref<512x64xf32, #tpu.memory_space<vmem>>)
    %add3A_16 = arith.constant 0 : i32
    %add3A_17 = arith.addi %mul3A_2, %add3A_16 : i32
    "tpu.region"() ({
      %run_scoped3A = tpu.sem_alloc : memref<!tpu.dma_semaphore, #tpu.memory_space<semaphore_mem>>
      %dma_start3A_193 = arith.constant 0 : i32
      %dma_start3A_194 = tpu.memref_slice %arg4[%add3A_17, %dma_start3A_193] : memref<262144x64xf32, #tpu.memory_space<hbm>> -> memref<512x64xf32, #tpu.memory_space<hbm>>
      %dma_start3A_195 = arith.constant 0 : i32
      %dma_start3A_196 = tpu.memref_slice %arg4[%add3A_17, %dma_start3A_195] : memref<262144x64xf32, #tpu.memory_space<hbm>> -> memref<512x64xf32, #tpu.memory_space<hbm>>
      tpu.enqueue_dma source(%arg6 : memref<512x64xf32, #tpu.memory_space<vmem>>) target(%dma_start3A_196 : memref<512x64xf32, #tpu.memory_space<hbm>>) target_semaphore(%run_scoped3A : memref<!tpu.dma_semaphore, #tpu.memory_space<semaphore_mem>>)
      %dma_wait3A_197 = arith.constant 0 : i32
      %dma_wait3A_198 = tpu.memref_slice %arg4[%add3A_17, %dma_wait3A_197] : memref<262144x64xf32, #tpu.memory_space<hbm>> -> memref<512x64xf32, #tpu.memory_space<hbm>>
      %dma_wait3A_199 = arith.constant 0 : i32
      %dma_wait3A_200 = tpu.memref_slice %arg4[%add3A_17, %dma_wait3A_199] : memref<262144x64xf32, #tpu.memory_space<hbm>> -> memref<512x64xf32, #tpu.memory_space<hbm>>
      tpu.wait_dma2 semaphore(%run_scoped3A : memref<!tpu.dma_semaphore, #tpu.memory_space<semaphore_mem>>) src(%arg6 : memref<512x64xf32, #tpu.memory_space<vmem>>) dst(%dma_wait3A_200 : memref<512x64xf32, #tpu.memory_space<hbm>>)
      tpu.yield
    }) : () -> ()
    %dma_start3A_18 = arith.constant 1024 : i32
    %dma_start3A_19 = tpu.memref_slice %arg5[%dma_start3A_18] : memref<8192xi32, #tpu.memory_space<vmem>> -> memref<512xi32, #tpu.memory_space<vmem>>
    %dma_start3A_20 = arith.constant 0 : i32
    %dma_start3A_21 = arith.constant 0 : i32
    %dma_start3A_22 = tpu.memref_slice %arg2[%dma_start3A_20, %dma_start3A_21] : memref<16384x64xf32, #tpu.memory_space<hbm>> -> memref<16384x64xf32, #tpu.memory_space<hbm>>
    tpu.enqueue_indirect_dma source(%dma_start3A_22 : memref<16384x64xf32, #tpu.memory_space<hbm>>) target(%arg6 : memref<512x64xf32, #tpu.memory_space<vmem>>) offsets(%dma_start3A_19 : memref<512xi32, #tpu.memory_space<vmem>>) semaphore(%arg8 : memref<!tpu.dma_semaphore, #tpu.memory_space<semaphore_mem>>)
    %dma_wait3A_23 = arith.constant 512 : i32
    %dma_wait3A_24 = tpu.memref_slice %arg5[%dma_wait3A_23] : memref<8192xi32, #tpu.memory_space<vmem>> -> memref<512xi32, #tpu.memory_space<vmem>>
    %dma_wait3A_25 = arith.constant 0 : i32
    %dma_wait3A_26 = arith.constant 0 : i32
    %dma_wait3A_27 = tpu.memref_slice %arg2[%dma_wait3A_25, %dma_wait3A_26] : memref<16384x64xf32, #tpu.memory_space<hbm>> -> memref<16384x64xf32, #tpu.memory_space<hbm>>
    tpu.wait_indirect_dma semaphore(%arg9 : memref<!tpu.dma_semaphore, #tpu.memory_space<semaphore_mem>>) src(%dma_wait3A_27 : memref<16384x64xf32, #tpu.memory_space<hbm>>) dst(%arg7 : memref<512x64xf32, #tpu.memory_space<vmem>>)
    %add3A_28 = arith.constant 512 : i32
    %add3A_29 = arith.addi %mul3A_2, %add3A_28 : i32
    "tpu.region"() ({
      %run_scoped3A = tpu.sem_alloc : memref<!tpu.dma_semaphore, #tpu.memory_space<semaphore_mem>>
      %dma_start3A_193 = arith.constant 0 : i32
      %dma_start3A_194 = tpu.memref_slice %arg4[%add3A_29, %dma_start3A_193] : memref<262144x64xf32, #tpu.memory_space<hbm>> -> memref<512x64xf32, #tpu.memory_space<hbm>>
      %dma_start3A_195 = arith.constant 0 : i32
      %dma_start3A_196 = tpu.memref_slice %arg4[%add3A_29, %dma_start3A_195] : memref<262144x64xf32, #tpu.memory_space<hbm>> -> memref<512x64xf32, #tpu.memory_space<hbm>>
      tpu.enqueue_dma source(%arg7 : memref<512x64xf32, #tpu.memory_space<vmem>>) target(%dma_start3A_196 : memref<512x64xf32, #tpu.memory_space<hbm>>) target_semaphore(%run_scoped3A : memref<!tpu.dma_semaphore, #tpu.memory_space<semaphore_mem>>)
      %dma_wait3A_197 = arith.constant 0 : i32
      %dma_wait3A_198 = tpu.memref_slice %arg4[%add3A_29, %dma_wait3A_197] : memref<262144x64xf32, #tpu.memory_space<hbm>> -> memref<512x64xf32, #tpu.memory_space<hbm>>
      %dma_wait3A_199 = arith.constant 0 : i32
      %dma_wait3A_200 = tpu.memref_slice %arg4[%add3A_29, %dma_wait3A_199] : memref<262144x64xf32, #tpu.memory_space<hbm>> -> memref<512x64xf32, #tpu.memory_space<hbm>>
      tpu.wait_dma2 semaphore(%run_scoped3A : memref<!tpu.dma_semaphore, #tpu.memory_space<semaphore_mem>>) src(%arg7 : memref<512x64xf32, #tpu.memory_space<vmem>>) dst(%dma_wait3A_200 : memref<512x64xf32, #tpu.memory_space<hbm>>)
      tpu.yield
    }) : () -> ()
    %dma_start3A_30 = arith.constant 1536 : i32
    %dma_start3A_31 = tpu.memref_slice %arg5[%dma_start3A_30] : memref<8192xi32, #tpu.memory_space<vmem>> -> memref<512xi32, #tpu.memory_space<vmem>>
    %dma_start3A_32 = arith.constant 0 : i32
    %dma_start3A_33 = arith.constant 0 : i32
    %dma_start3A_34 = tpu.memref_slice %arg2[%dma_start3A_32, %dma_start3A_33] : memref<16384x64xf32, #tpu.memory_space<hbm>> -> memref<16384x64xf32, #tpu.memory_space<hbm>>
    tpu.enqueue_indirect_dma source(%dma_start3A_34 : memref<16384x64xf32, #tpu.memory_space<hbm>>) target(%arg7 : memref<512x64xf32, #tpu.memory_space<vmem>>) offsets(%dma_start3A_31 : memref<512xi32, #tpu.memory_space<vmem>>) semaphore(%arg9 : memref<!tpu.dma_semaphore, #tpu.memory_space<semaphore_mem>>)
    %dma_wait3A_35 = arith.constant 1024 : i32
    %dma_wait3A_36 = tpu.memref_slice %arg5[%dma_wait3A_35] : memref<8192xi32, #tpu.memory_space<vmem>> -> memref<512xi32, #tpu.memory_space<vmem>>
    %dma_wait3A_37 = arith.constant 0 : i32
    %dma_wait3A_38 = arith.constant 0 : i32
    %dma_wait3A_39 = tpu.memref_slice %arg2[%dma_wait3A_37, %dma_wait3A_38] : memref<16384x64xf32, #tpu.memory_space<hbm>> -> memref<16384x64xf32, #tpu.memory_space<hbm>>
    tpu.wait_indirect_dma semaphore(%arg8 : memref<!tpu.dma_semaphore, #tpu.memory_space<semaphore_mem>>) src(%dma_wait3A_39 : memref<16384x64xf32, #tpu.memory_space<hbm>>) dst(%arg6 : memref<512x64xf32, #tpu.memory_space<vmem>>)
    %add3A_40 = arith.constant 1024 : i32
    %add3A_41 = arith.addi %mul3A_2, %add3A_40 : i32
    "tpu.region"() ({
      %run_scoped3A = tpu.sem_alloc : memref<!tpu.dma_semaphore, #tpu.memory_space<semaphore_mem>>
      %dma_start3A_193 = arith.constant 0 : i32
      %dma_start3A_194 = tpu.memref_slice %arg4[%add3A_41, %dma_start3A_193] : memref<262144x64xf32, #tpu.memory_space<hbm>> -> memref<512x64xf32, #tpu.memory_space<hbm>>
      %dma_start3A_195 = arith.constant 0 : i32
      %dma_start3A_196 = tpu.memref_slice %arg4[%add3A_41, %dma_start3A_195] : memref<262144x64xf32, #tpu.memory_space<hbm>> -> memref<512x64xf32, #tpu.memory_space<hbm>>
      tpu.enqueue_dma source(%arg6 : memref<512x64xf32, #tpu.memory_space<vmem>>) target(%dma_start3A_196 : memref<512x64xf32, #tpu.memory_space<hbm>>) target_semaphore(%run_scoped3A : memref<!tpu.dma_semaphore, #tpu.memory_space<semaphore_mem>>)
      %dma_wait3A_197 = arith.constant 0 : i32
      %dma_wait3A_198 = tpu.memref_slice %arg4[%add3A_41, %dma_wait3A_197] : memref<262144x64xf32, #tpu.memory_space<hbm>> -> memref<512x64xf32, #tpu.memory_space<hbm>>
      %dma_wait3A_199 = arith.constant 0 : i32
      %dma_wait3A_200 = tpu.memref_slice %arg4[%add3A_41, %dma_wait3A_199] : memref<262144x64xf32, #tpu.memory_space<hbm>> -> memref<512x64xf32, #tpu.memory_space<hbm>>
      tpu.wait_dma2 semaphore(%run_scoped3A : memref<!tpu.dma_semaphore, #tpu.memory_space<semaphore_mem>>) src(%arg6 : memref<512x64xf32, #tpu.memory_space<vmem>>) dst(%dma_wait3A_200 : memref<512x64xf32, #tpu.memory_space<hbm>>)
      tpu.yield
    }) : () -> ()
    %dma_start3A_42 = arith.constant 2048 : i32
    %dma_start3A_43 = tpu.memref_slice %arg5[%dma_start3A_42] : memref<8192xi32, #tpu.memory_space<vmem>> -> memref<512xi32, #tpu.memory_space<vmem>>
    %dma_start3A_44 = arith.constant 0 : i32
    %dma_start3A_45 = arith.constant 0 : i32
    %dma_start3A_46 = tpu.memref_slice %arg2[%dma_start3A_44, %dma_start3A_45] : memref<16384x64xf32, #tpu.memory_space<hbm>> -> memref<16384x64xf32, #tpu.memory_space<hbm>>
    tpu.enqueue_indirect_dma source(%dma_start3A_46 : memref<16384x64xf32, #tpu.memory_space<hbm>>) target(%arg6 : memref<512x64xf32, #tpu.memory_space<vmem>>) offsets(%dma_start3A_43 : memref<512xi32, #tpu.memory_space<vmem>>) semaphore(%arg8 : memref<!tpu.dma_semaphore, #tpu.memory_space<semaphore_mem>>)
    %dma_wait3A_47 = arith.constant 1536 : i32
    %dma_wait3A_48 = tpu.memref_slice %arg5[%dma_wait3A_47] : memref<8192xi32, #tpu.memory_space<vmem>> -> memref<512xi32, #tpu.memory_space<vmem>>
    %dma_wait3A_49 = arith.constant 0 : i32
    %dma_wait3A_50 = arith.constant 0 : i32
    %dma_wait3A_51 = tpu.memref_slice %arg2[%dma_wait3A_49, %dma_wait3A_50] : memref<16384x64xf32, #tpu.memory_space<hbm>> -> memref<16384x64xf32, #tpu.memory_space<hbm>>
    tpu.wait_indirect_dma semaphore(%arg9 : memref<!tpu.dma_semaphore, #tpu.memory_space<semaphore_mem>>) src(%dma_wait3A_51 : memref<16384x64xf32, #tpu.memory_space<hbm>>) dst(%arg7 : memref<512x64xf32, #tpu.memory_space<vmem>>)
    %add3A_52 = arith.constant 1536 : i32
    %add3A_53 = arith.addi %mul3A_2, %add3A_52 : i32
    "tpu.region"() ({
      %run_scoped3A = tpu.sem_alloc : memref<!tpu.dma_semaphore, #tpu.memory_space<semaphore_mem>>
      %dma_start3A_193 = arith.constant 0 : i32
      %dma_start3A_194 = tpu.memref_slice %arg4[%add3A_53, %dma_start3A_193] : memref<262144x64xf32, #tpu.memory_space<hbm>> -> memref<512x64xf32, #tpu.memory_space<hbm>>
      %dma_start3A_195 = arith.constant 0 : i32
      %dma_start3A_196 = tpu.memref_slice %arg4[%add3A_53, %dma_start3A_195] : memref<262144x64xf32, #tpu.memory_space<hbm>> -> memref<512x64xf32, #tpu.memory_space<hbm>>
      tpu.enqueue_dma source(%arg7 : memref<512x64xf32, #tpu.memory_space<vmem>>) target(%dma_start3A_196 : memref<512x64xf32, #tpu.memory_space<hbm>>) target_semaphore(%run_scoped3A : memref<!tpu.dma_semaphore, #tpu.memory_space<semaphore_mem>>)
      %dma_wait3A_197 = arith.constant 0 : i32
      %dma_wait3A_198 = tpu.memref_slice %arg4[%add3A_53, %dma_wait3A_197] : memref<262144x64xf32, #tpu.memory_space<hbm>> -> memref<512x64xf32, #tpu.memory_space<hbm>>
      %dma_wait3A_199 = arith.constant 0 : i32
      %dma_wait3A_200 = tpu.memref_slice %arg4[%add3A_53, %dma_wait3A_199] : memref<262144x64xf32, #tpu.memory_space<hbm>> -> memref<512x64xf32, #tpu.memory_space<hbm>>
      tpu.wait_dma2 semaphore(%run_scoped3A : memref<!tpu.dma_semaphore, #tpu.memory_space<semaphore_mem>>) src(%arg7 : memref<512x64xf32, #tpu.memory_space<vmem>>) dst(%dma_wait3A_200 : memref<512x64xf32, #tpu.memory_space<hbm>>)
      tpu.yield
    }) : () -> ()
    %dma_start3A_54 = arith.constant 2560 : i32
    %dma_start3A_55 = tpu.memref_slice %arg5[%dma_start3A_54] : memref<8192xi32, #tpu.memory_space<vmem>> -> memref<512xi32, #tpu.memory_space<vmem>>
    %dma_start3A_56 = arith.constant 0 : i32
    %dma_start3A_57 = arith.constant 0 : i32
    %dma_start3A_58 = tpu.memref_slice %arg2[%dma_start3A_56, %dma_start3A_57] : memref<16384x64xf32, #tpu.memory_space<hbm>> -> memref<16384x64xf32, #tpu.memory_space<hbm>>
    tpu.enqueue_indirect_dma source(%dma_start3A_58 : memref<16384x64xf32, #tpu.memory_space<hbm>>) target(%arg7 : memref<512x64xf32, #tpu.memory_space<vmem>>) offsets(%dma_start3A_55 : memref<512xi32, #tpu.memory_space<vmem>>) semaphore(%arg9 : memref<!tpu.dma_semaphore, #tpu.memory_space<semaphore_mem>>)
    %dma_wait3A_59 = arith.constant 2048 : i32
    %dma_wait3A_60 = tpu.memref_slice %arg5[%dma_wait3A_59] : memref<8192xi32, #tpu.memory_space<vmem>> -> memref<512xi32, #tpu.memory_space<vmem>>
    %dma_wait3A_61 = arith.constant 0 : i32
    %dma_wait3A_62 = arith.constant 0 : i32
    %dma_wait3A_63 = tpu.memref_slice %arg2[%dma_wait3A_61, %dma_wait3A_62] : memref<16384x64xf32, #tpu.memory_space<hbm>> -> memref<16384x64xf32, #tpu.memory_space<hbm>>
    tpu.wait_indirect_dma semaphore(%arg8 : memref<!tpu.dma_semaphore, #tpu.memory_space<semaphore_mem>>) src(%dma_wait3A_63 : memref<16384x64xf32, #tpu.memory_space<hbm>>) dst(%arg6 : memref<512x64xf32, #tpu.memory_space<vmem>>)
    %add3A_64 = arith.constant 2048 : i32
    %add3A_65 = arith.addi %mul3A_2, %add3A_64 : i32
    "tpu.region"() ({
      %run_scoped3A = tpu.sem_alloc : memref<!tpu.dma_semaphore, #tpu.memory_space<semaphore_mem>>
      %dma_start3A_193 = arith.constant 0 : i32
      %dma_start3A_194 = tpu.memref_slice %arg4[%add3A_65, %dma_start3A_193] : memref<262144x64xf32, #tpu.memory_space<hbm>> -> memref<512x64xf32, #tpu.memory_space<hbm>>
      %dma_start3A_195 = arith.constant 0 : i32
      %dma_start3A_196 = tpu.memref_slice %arg4[%add3A_65, %dma_start3A_195] : memref<262144x64xf32, #tpu.memory_space<hbm>> -> memref<512x64xf32, #tpu.memory_space<hbm>>
      tpu.enqueue_dma source(%arg6 : memref<512x64xf32, #tpu.memory_space<vmem>>) target(%dma_start3A_196 : memref<512x64xf32, #tpu.memory_space<hbm>>) target_semaphore(%run_scoped3A : memref<!tpu.dma_semaphore, #tpu.memory_space<semaphore_mem>>)
      %dma_wait3A_197 = arith.constant 0 : i32
      %dma_wait3A_198 = tpu.memref_slice %arg4[%add3A_65, %dma_wait3A_197] : memref<262144x64xf32, #tpu.memory_space<hbm>> -> memref<512x64xf32, #tpu.memory_space<hbm>>
      %dma_wait3A_199 = arith.constant 0 : i32
      %dma_wait3A_200 = tpu.memref_slice %arg4[%add3A_65, %dma_wait3A_199] : memref<262144x64xf32, #tpu.memory_space<hbm>> -> memref<512x64xf32, #tpu.memory_space<hbm>>
      tpu.wait_dma2 semaphore(%run_scoped3A : memref<!tpu.dma_semaphore, #tpu.memory_space<semaphore_mem>>) src(%arg6 : memref<512x64xf32, #tpu.memory_space<vmem>>) dst(%dma_wait3A_200 : memref<512x64xf32, #tpu.memory_space<hbm>>)
      tpu.yield
    }) : () -> ()
    %dma_start3A_66 = arith.constant 3072 : i32
    %dma_start3A_67 = tpu.memref_slice %arg5[%dma_start3A_66] : memref<8192xi32, #tpu.memory_space<vmem>> -> memref<512xi32, #tpu.memory_space<vmem>>
    %dma_start3A_68 = arith.constant 0 : i32
    %dma_start3A_69 = arith.constant 0 : i32
    %dma_start3A_70 = tpu.memref_slice %arg2[%dma_start3A_68, %dma_start3A_69] : memref<16384x64xf32, #tpu.memory_space<hbm>> -> memref<16384x64xf32, #tpu.memory_space<hbm>>
    tpu.enqueue_indirect_dma source(%dma_start3A_70 : memref<16384x64xf32, #tpu.memory_space<hbm>>) target(%arg6 : memref<512x64xf32, #tpu.memory_space<vmem>>) offsets(%dma_start3A_67 : memref<512xi32, #tpu.memory_space<vmem>>) semaphore(%arg8 : memref<!tpu.dma_semaphore, #tpu.memory_space<semaphore_mem>>)
    %dma_wait3A_71 = arith.constant 2560 : i32
    %dma_wait3A_72 = tpu.memref_slice %arg5[%dma_wait3A_71] : memref<8192xi32, #tpu.memory_space<vmem>> -> memref<512xi32, #tpu.memory_space<vmem>>
    %dma_wait3A_73 = arith.constant 0 : i32
    %dma_wait3A_74 = arith.constant 0 : i32
    %dma_wait3A_75 = tpu.memref_slice %arg2[%dma_wait3A_73, %dma_wait3A_74] : memref<16384x64xf32, #tpu.memory_space<hbm>> -> memref<16384x64xf32, #tpu.memory_space<hbm>>
    tpu.wait_indirect_dma semaphore(%arg9 : memref<!tpu.dma_semaphore, #tpu.memory_space<semaphore_mem>>) src(%dma_wait3A_75 : memref<16384x64xf32, #tpu.memory_space<hbm>>) dst(%arg7 : memref<512x64xf32, #tpu.memory_space<vmem>>)
    %add3A_76 = arith.constant 2560 : i32
    %add3A_77 = arith.addi %mul3A_2, %add3A_76 : i32
    "tpu.region"() ({
      %run_scoped3A = tpu.sem_alloc : memref<!tpu.dma_semaphore, #tpu.memory_space<semaphore_mem>>
      %dma_start3A_193 = arith.constant 0 : i32
      %dma_start3A_194 = tpu.memref_slice %arg4[%add3A_77, %dma_start3A_193] : memref<262144x64xf32, #tpu.memory_space<hbm>> -> memref<512x64xf32, #tpu.memory_space<hbm>>
      %dma_start3A_195 = arith.constant 0 : i32
      %dma_start3A_196 = tpu.memref_slice %arg4[%add3A_77, %dma_start3A_195] : memref<262144x64xf32, #tpu.memory_space<hbm>> -> memref<512x64xf32, #tpu.memory_space<hbm>>
      tpu.enqueue_dma source(%arg7 : memref<512x64xf32, #tpu.memory_space<vmem>>) target(%dma_start3A_196 : memref<512x64xf32, #tpu.memory_space<hbm>>) target_semaphore(%run_scoped3A : memref<!tpu.dma_semaphore, #tpu.memory_space<semaphore_mem>>)
      %dma_wait3A_197 = arith.constant 0 : i32
      %dma_wait3A_198 = tpu.memref_slice %arg4[%add3A_77, %dma_wait3A_197] : memref<262144x64xf32, #tpu.memory_space<hbm>> -> memref<512x64xf32, #tpu.memory_space<hbm>>
      %dma_wait3A_199 = arith.constant 0 : i32
      %dma_wait3A_200 = tpu.memref_slice %arg4[%add3A_77, %dma_wait3A_199] : memref<262144x64xf32, #tpu.memory_space<hbm>> -> memref<512x64xf32, #tpu.memory_space<hbm>>
      tpu.wait_dma2 semaphore(%run_scoped3A : memref<!tpu.dma_semaphore, #tpu.memory_space<semaphore_mem>>) src(%arg7 : memref<512x64xf32, #tpu.memory_space<vmem>>) dst(%dma_wait3A_200 : memref<512x64xf32, #tpu.memory_space<hbm>>)
      tpu.yield
    }) : () -> ()
    %dma_start3A_78 = arith.constant 3584 : i32
    %dma_start3A_79 = tpu.memref_slice %arg5[%dma_start3A_78] : memref<8192xi32, #tpu.memory_space<vmem>> -> memref<512xi32, #tpu.memory_space<vmem>>
    %dma_start3A_80 = arith.constant 0 : i32
    %dma_start3A_81 = arith.constant 0 : i32
    %dma_start3A_82 = tpu.memref_slice %arg2[%dma_start3A_80, %dma_start3A_81] : memref<16384x64xf32, #tpu.memory_space<hbm>> -> memref<16384x64xf32, #tpu.memory_space<hbm>>
    tpu.enqueue_indirect_dma source(%dma_start3A_82 : memref<16384x64xf32, #tpu.memory_space<hbm>>) target(%arg7 : memref<512x64xf32, #tpu.memory_space<vmem>>) offsets(%dma_start3A_79 : memref<512xi32, #tpu.memory_space<vmem>>) semaphore(%arg9 : memref<!tpu.dma_semaphore, #tpu.memory_space<semaphore_mem>>)
    %dma_wait3A_83 = arith.constant 3072 : i32
    %dma_wait3A_84 = tpu.memref_slice %arg5[%dma_wait3A_83] : memref<8192xi32, #tpu.memory_space<vmem>> -> memref<512xi32, #tpu.memory_space<vmem>>
    %dma_wait3A_85 = arith.constant 0 : i32
    %dma_wait3A_86 = arith.constant 0 : i32
    %dma_wait3A_87 = tpu.memref_slice %arg2[%dma_wait3A_85, %dma_wait3A_86] : memref<16384x64xf32, #tpu.memory_space<hbm>> -> memref<16384x64xf32, #tpu.memory_space<hbm>>
    tpu.wait_indirect_dma semaphore(%arg8 : memref<!tpu.dma_semaphore, #tpu.memory_space<semaphore_mem>>) src(%dma_wait3A_87 : memref<16384x64xf32, #tpu.memory_space<hbm>>) dst(%arg6 : memref<512x64xf32, #tpu.memory_space<vmem>>)
    %add3A_88 = arith.constant 3072 : i32
    %add3A_89 = arith.addi %mul3A_2, %add3A_88 : i32
    "tpu.region"() ({
      %run_scoped3A = tpu.sem_alloc : memref<!tpu.dma_semaphore, #tpu.memory_space<semaphore_mem>>
      %dma_start3A_193 = arith.constant 0 : i32
      %dma_start3A_194 = tpu.memref_slice %arg4[%add3A_89, %dma_start3A_193] : memref<262144x64xf32, #tpu.memory_space<hbm>> -> memref<512x64xf32, #tpu.memory_space<hbm>>
      %dma_start3A_195 = arith.constant 0 : i32
      %dma_start3A_196 = tpu.memref_slice %arg4[%add3A_89, %dma_start3A_195] : memref<262144x64xf32, #tpu.memory_space<hbm>> -> memref<512x64xf32, #tpu.memory_space<hbm>>
      tpu.enqueue_dma source(%arg6 : memref<512x64xf32, #tpu.memory_space<vmem>>) target(%dma_start3A_196 : memref<512x64xf32, #tpu.memory_space<hbm>>) target_semaphore(%run_scoped3A : memref<!tpu.dma_semaphore, #tpu.memory_space<semaphore_mem>>)
      %dma_wait3A_197 = arith.constant 0 : i32
      %dma_wait3A_198 = tpu.memref_slice %arg4[%add3A_89, %dma_wait3A_197] : memref<262144x64xf32, #tpu.memory_space<hbm>> -> memref<512x64xf32, #tpu.memory_space<hbm>>
      %dma_wait3A_199 = arith.constant 0 : i32
      %dma_wait3A_200 = tpu.memref_slice %arg4[%add3A_89, %dma_wait3A_199] : memref<262144x64xf32, #tpu.memory_space<hbm>> -> memref<512x64xf32, #tpu.memory_space<hbm>>
      tpu.wait_dma2 semaphore(%run_scoped3A : memref<!tpu.dma_semaphore, #tpu.memory_space<semaphore_mem>>) src(%arg6 : memref<512x64xf32, #tpu.memory_space<vmem>>) dst(%dma_wait3A_200 : memref<512x64xf32, #tpu.memory_space<hbm>>)
      tpu.yield
    }) : () -> ()
    %dma_start3A_90 = arith.constant 4096 : i32
    %dma_start3A_91 = tpu.memref_slice %arg5[%dma_start3A_90] : memref<8192xi32, #tpu.memory_space<vmem>> -> memref<512xi32, #tpu.memory_space<vmem>>
    %dma_start3A_92 = arith.constant 0 : i32
    %dma_start3A_93 = arith.constant 0 : i32
    %dma_start3A_94 = tpu.memref_slice %arg2[%dma_start3A_92, %dma_start3A_93] : memref<16384x64xf32, #tpu.memory_space<hbm>> -> memref<16384x64xf32, #tpu.memory_space<hbm>>
    tpu.enqueue_indirect_dma source(%dma_start3A_94 : memref<16384x64xf32, #tpu.memory_space<hbm>>) target(%arg6 : memref<512x64xf32, #tpu.memory_space<vmem>>) offsets(%dma_start3A_91 : memref<512xi32, #tpu.memory_space<vmem>>) semaphore(%arg8 : memref<!tpu.dma_semaphore, #tpu.memory_space<semaphore_mem>>)
    %dma_wait3A_95 = arith.constant 3584 : i32
    %dma_wait3A_96 = tpu.memref_slice %arg5[%dma_wait3A_95] : memref<8192xi32, #tpu.memory_space<vmem>> -> memref<512xi32, #tpu.memory_space<vmem>>
    %dma_wait3A_97 = arith.constant 0 : i32
    %dma_wait3A_98 = arith.constant 0 : i32
    %dma_wait3A_99 = tpu.memref_slice %arg2[%dma_wait3A_97, %dma_wait3A_98] : memref<16384x64xf32, #tpu.memory_space<hbm>> -> memref<16384x64xf32, #tpu.memory_space<hbm>>
    tpu.wait_indirect_dma semaphore(%arg9 : memref<!tpu.dma_semaphore, #tpu.memory_space<semaphore_mem>>) src(%dma_wait3A_99 : memref<16384x64xf32, #tpu.memory_space<hbm>>) dst(%arg7 : memref<512x64xf32, #tpu.memory_space<vmem>>)
    %add3A_100 = arith.constant 3584 : i32
    %add3A_101 = arith.addi %mul3A_2, %add3A_100 : i32
    "tpu.region"() ({
      %run_scoped3A = tpu.sem_alloc : memref<!tpu.dma_semaphore, #tpu.memory_space<semaphore_mem>>
      %dma_start3A_193 = arith.constant 0 : i32
      %dma_start3A_194 = tpu.memref_slice %arg4[%add3A_101, %dma_start3A_193] : memref<262144x64xf32, #tpu.memory_space<hbm>> -> memref<512x64xf32, #tpu.memory_space<hbm>>
      %dma_start3A_195 = arith.constant 0 : i32
      %dma_start3A_196 = tpu.memref_slice %arg4[%add3A_101, %dma_start3A_195] : memref<262144x64xf32, #tpu.memory_space<hbm>> -> memref<512x64xf32, #tpu.memory_space<hbm>>
      tpu.enqueue_dma source(%arg7 : memref<512x64xf32, #tpu.memory_space<vmem>>) target(%dma_start3A_196 : memref<512x64xf32, #tpu.memory_space<hbm>>) target_semaphore(%run_scoped3A : memref<!tpu.dma_semaphore, #tpu.memory_space<semaphore_mem>>)
      %dma_wait3A_197 = arith.constant 0 : i32
      %dma_wait3A_198 = tpu.memref_slice %arg4[%add3A_101, %dma_wait3A_197] : memref<262144x64xf32, #tpu.memory_space<hbm>> -> memref<512x64xf32, #tpu.memory_space<hbm>>
      %dma_wait3A_199 = arith.constant 0 : i32
      %dma_wait3A_200 = tpu.memref_slice %arg4[%add3A_101, %dma_wait3A_199] : memref<262144x64xf32, #tpu.memory_space<hbm>> -> memref<512x64xf32, #tpu.memory_space<hbm>>
      tpu.wait_dma2 semaphore(%run_scoped3A : memref<!tpu.dma_semaphore, #tpu.memory_space<semaphore_mem>>) src(%arg7 : memref<512x64xf32, #tpu.memory_space<vmem>>) dst(%dma_wait3A_200 : memref<512x64xf32, #tpu.memory_space<hbm>>)
      tpu.yield
    }) : () -> ()
    %dma_start3A_102 = arith.constant 4608 : i32
    %dma_start3A_103 = tpu.memref_slice %arg5[%dma_start3A_102] : memref<8192xi32, #tpu.memory_space<vmem>> -> memref<512xi32, #tpu.memory_space<vmem>>
    %dma_start3A_104 = arith.constant 0 : i32
    %dma_start3A_105 = arith.constant 0 : i32
    %dma_start3A_106 = tpu.memref_slice %arg2[%dma_start3A_104, %dma_start3A_105] : memref<16384x64xf32, #tpu.memory_space<hbm>> -> memref<16384x64xf32, #tpu.memory_space<hbm>>
    tpu.enqueue_indirect_dma source(%dma_start3A_106 : memref<16384x64xf32, #tpu.memory_space<hbm>>) target(%arg7 : memref<512x64xf32, #tpu.memory_space<vmem>>) offsets(%dma_start3A_103 : memref<512xi32, #tpu.memory_space<vmem>>) semaphore(%arg9 : memref<!tpu.dma_semaphore, #tpu.memory_space<semaphore_mem>>)
    %dma_wait3A_107 = arith.constant 4096 : i32
    %dma_wait3A_108 = tpu.memref_slice %arg5[%dma_wait3A_107] : memref<8192xi32, #tpu.memory_space<vmem>> -> memref<512xi32, #tpu.memory_space<vmem>>
    %dma_wait3A_109 = arith.constant 0 : i32
    %dma_wait3A_110 = arith.constant 0 : i32
    %dma_wait3A_111 = tpu.memref_slice %arg2[%dma_wait3A_109, %dma_wait3A_110] : memref<16384x64xf32, #tpu.memory_space<hbm>> -> memref<16384x64xf32, #tpu.memory_space<hbm>>
    tpu.wait_indirect_dma semaphore(%arg8 : memref<!tpu.dma_semaphore, #tpu.memory_space<semaphore_mem>>) src(%dma_wait3A_111 : memref<16384x64xf32, #tpu.memory_space<hbm>>) dst(%arg6 : memref<512x64xf32, #tpu.memory_space<vmem>>)
    %add3A_112 = arith.constant 4096 : i32
    %add3A_113 = arith.addi %mul3A_2, %add3A_112 : i32
    "tpu.region"() ({
      %run_scoped3A = tpu.sem_alloc : memref<!tpu.dma_semaphore, #tpu.memory_space<semaphore_mem>>
      %dma_start3A_193 = arith.constant 0 : i32
      %dma_start3A_194 = tpu.memref_slice %arg4[%add3A_113, %dma_start3A_193] : memref<262144x64xf32, #tpu.memory_space<hbm>> -> memref<512x64xf32, #tpu.memory_space<hbm>>
      %dma_start3A_195 = arith.constant 0 : i32
      %dma_start3A_196 = tpu.memref_slice %arg4[%add3A_113, %dma_start3A_195] : memref<262144x64xf32, #tpu.memory_space<hbm>> -> memref<512x64xf32, #tpu.memory_space<hbm>>
      tpu.enqueue_dma source(%arg6 : memref<512x64xf32, #tpu.memory_space<vmem>>) target(%dma_start3A_196 : memref<512x64xf32, #tpu.memory_space<hbm>>) target_semaphore(%run_scoped3A : memref<!tpu.dma_semaphore, #tpu.memory_space<semaphore_mem>>)
      %dma_wait3A_197 = arith.constant 0 : i32
      %dma_wait3A_198 = tpu.memref_slice %arg4[%add3A_113, %dma_wait3A_197] : memref<262144x64xf32, #tpu.memory_space<hbm>> -> memref<512x64xf32, #tpu.memory_space<hbm>>
      %dma_wait3A_199 = arith.constant 0 : i32
      %dma_wait3A_200 = tpu.memref_slice %arg4[%add3A_113, %dma_wait3A_199] : memref<262144x64xf32, #tpu.memory_space<hbm>> -> memref<512x64xf32, #tpu.memory_space<hbm>>
      tpu.wait_dma2 semaphore(%run_scoped3A : memref<!tpu.dma_semaphore, #tpu.memory_space<semaphore_mem>>) src(%arg6 : memref<512x64xf32, #tpu.memory_space<vmem>>) dst(%dma_wait3A_200 : memref<512x64xf32, #tpu.memory_space<hbm>>)
      tpu.yield
    }) : () -> ()
    %dma_start3A_114 = arith.constant 5120 : i32
    %dma_start3A_115 = tpu.memref_slice %arg5[%dma_start3A_114] : memref<8192xi32, #tpu.memory_space<vmem>> -> memref<512xi32, #tpu.memory_space<vmem>>
    %dma_start3A_116 = arith.constant 0 : i32
    %dma_start3A_117 = arith.constant 0 : i32
    %dma_start3A_118 = tpu.memref_slice %arg2[%dma_start3A_116, %dma_start3A_117] : memref<16384x64xf32, #tpu.memory_space<hbm>> -> memref<16384x64xf32, #tpu.memory_space<hbm>>
    tpu.enqueue_indirect_dma source(%dma_start3A_118 : memref<16384x64xf32, #tpu.memory_space<hbm>>) target(%arg6 : memref<512x64xf32, #tpu.memory_space<vmem>>) offsets(%dma_start3A_115 : memref<512xi32, #tpu.memory_space<vmem>>) semaphore(%arg8 : memref<!tpu.dma_semaphore, #tpu.memory_space<semaphore_mem>>)
    %dma_wait3A_119 = arith.constant 4608 : i32
    %dma_wait3A_120 = tpu.memref_slice %arg5[%dma_wait3A_119] : memref<8192xi32, #tpu.memory_space<vmem>> -> memref<512xi32, #tpu.memory_space<vmem>>
    %dma_wait3A_121 = arith.constant 0 : i32
    %dma_wait3A_122 = arith.constant 0 : i32
    %dma_wait3A_123 = tpu.memref_slice %arg2[%dma_wait3A_121, %dma_wait3A_122] : memref<16384x64xf32, #tpu.memory_space<hbm>> -> memref<16384x64xf32, #tpu.memory_space<hbm>>
    tpu.wait_indirect_dma semaphore(%arg9 : memref<!tpu.dma_semaphore, #tpu.memory_space<semaphore_mem>>) src(%dma_wait3A_123 : memref<16384x64xf32, #tpu.memory_space<hbm>>) dst(%arg7 : memref<512x64xf32, #tpu.memory_space<vmem>>)
    %add3A_124 = arith.constant 4608 : i32
    %add3A_125 = arith.addi %mul3A_2, %add3A_124 : i32
    "tpu.region"() ({
      %run_scoped3A = tpu.sem_alloc : memref<!tpu.dma_semaphore, #tpu.memory_space<semaphore_mem>>
      %dma_start3A_193 = arith.constant 0 : i32
      %dma_start3A_194 = tpu.memref_slice %arg4[%add3A_125, %dma_start3A_193] : memref<262144x64xf32, #tpu.memory_space<hbm>> -> memref<512x64xf32, #tpu.memory_space<hbm>>
      %dma_start3A_195 = arith.constant 0 : i32
      %dma_start3A_196 = tpu.memref_slice %arg4[%add3A_125, %dma_start3A_195] : memref<262144x64xf32, #tpu.memory_space<hbm>> -> memref<512x64xf32, #tpu.memory_space<hbm>>
      tpu.enqueue_dma source(%arg7 : memref<512x64xf32, #tpu.memory_space<vmem>>) target(%dma_start3A_196 : memref<512x64xf32, #tpu.memory_space<hbm>>) target_semaphore(%run_scoped3A : memref<!tpu.dma_semaphore, #tpu.memory_space<semaphore_mem>>)
      %dma_wait3A_197 = arith.constant 0 : i32
      %dma_wait3A_198 = tpu.memref_slice %arg4[%add3A_125, %dma_wait3A_197] : memref<262144x64xf32, #tpu.memory_space<hbm>> -> memref<512x64xf32, #tpu.memory_space<hbm>>
      %dma_wait3A_199 = arith.constant 0 : i32
      %dma_wait3A_200 = tpu.memref_slice %arg4[%add3A_125, %dma_wait3A_199] : memref<262144x64xf32, #tpu.memory_space<hbm>> -> memref<512x64xf32, #tpu.memory_space<hbm>>
      tpu.wait_dma2 semaphore(%run_scoped3A : memref<!tpu.dma_semaphore, #tpu.memory_space<semaphore_mem>>) src(%arg7 : memref<512x64xf32, #tpu.memory_space<vmem>>) dst(%dma_wait3A_200 : memref<512x64xf32, #tpu.memory_space<hbm>>)
      tpu.yield
    }) : () -> ()
    %dma_start3A_126 = arith.constant 5632 : i32
    %dma_start3A_127 = tpu.memref_slice %arg5[%dma_start3A_126] : memref<8192xi32, #tpu.memory_space<vmem>> -> memref<512xi32, #tpu.memory_space<vmem>>
    %dma_start3A_128 = arith.constant 0 : i32
    %dma_start3A_129 = arith.constant 0 : i32
    %dma_start3A_130 = tpu.memref_slice %arg2[%dma_start3A_128, %dma_start3A_129] : memref<16384x64xf32, #tpu.memory_space<hbm>> -> memref<16384x64xf32, #tpu.memory_space<hbm>>
    tpu.enqueue_indirect_dma source(%dma_start3A_130 : memref<16384x64xf32, #tpu.memory_space<hbm>>) target(%arg7 : memref<512x64xf32, #tpu.memory_space<vmem>>) offsets(%dma_start3A_127 : memref<512xi32, #tpu.memory_space<vmem>>) semaphore(%arg9 : memref<!tpu.dma_semaphore, #tpu.memory_space<semaphore_mem>>)
    %dma_wait3A_131 = arith.constant 5120 : i32
    %dma_wait3A_132 = tpu.memref_slice %arg5[%dma_wait3A_131] : memref<8192xi32, #tpu.memory_space<vmem>> -> memref<512xi32, #tpu.memory_space<vmem>>
    %dma_wait3A_133 = arith.constant 0 : i32
    %dma_wait3A_134 = arith.constant 0 : i32
    %dma_wait3A_135 = tpu.memref_slice %arg2[%dma_wait3A_133, %dma_wait3A_134] : memref<16384x64xf32, #tpu.memory_space<hbm>> -> memref<16384x64xf32, #tpu.memory_space<hbm>>
    tpu.wait_indirect_dma semaphore(%arg8 : memref<!tpu.dma_semaphore, #tpu.memory_space<semaphore_mem>>) src(%dma_wait3A_135 : memref<16384x64xf32, #tpu.memory_space<hbm>>) dst(%arg6 : memref<512x64xf32, #tpu.memory_space<vmem>>)
    %add3A_136 = arith.constant 5120 : i32
    %add3A_137 = arith.addi %mul3A_2, %add3A_136 : i32
    "tpu.region"() ({
      %run_scoped3A = tpu.sem_alloc : memref<!tpu.dma_semaphore, #tpu.memory_space<semaphore_mem>>
      %dma_start3A_193 = arith.constant 0 : i32
      %dma_start3A_194 = tpu.memref_slice %arg4[%add3A_137, %dma_start3A_193] : memref<262144x64xf32, #tpu.memory_space<hbm>> -> memref<512x64xf32, #tpu.memory_space<hbm>>
      %dma_start3A_195 = arith.constant 0 : i32
      %dma_start3A_196 = tpu.memref_slice %arg4[%add3A_137, %dma_start3A_195] : memref<262144x64xf32, #tpu.memory_space<hbm>> -> memref<512x64xf32, #tpu.memory_space<hbm>>
      tpu.enqueue_dma source(%arg6 : memref<512x64xf32, #tpu.memory_space<vmem>>) target(%dma_start3A_196 : memref<512x64xf32, #tpu.memory_space<hbm>>) target_semaphore(%run_scoped3A : memref<!tpu.dma_semaphore, #tpu.memory_space<semaphore_mem>>)
      %dma_wait3A_197 = arith.constant 0 : i32
      %dma_wait3A_198 = tpu.memref_slice %arg4[%add3A_137, %dma_wait3A_197] : memref<262144x64xf32, #tpu.memory_space<hbm>> -> memref<512x64xf32, #tpu.memory_space<hbm>>
      %dma_wait3A_199 = arith.constant 0 : i32
      %dma_wait3A_200 = tpu.memref_slice %arg4[%add3A_137, %dma_wait3A_199] : memref<262144x64xf32, #tpu.memory_space<hbm>> -> memref<512x64xf32, #tpu.memory_space<hbm>>
      tpu.wait_dma2 semaphore(%run_scoped3A : memref<!tpu.dma_semaphore, #tpu.memory_space<semaphore_mem>>) src(%arg6 : memref<512x64xf32, #tpu.memory_space<vmem>>) dst(%dma_wait3A_200 : memref<512x64xf32, #tpu.memory_space<hbm>>)
      tpu.yield
    }) : () -> ()
    %dma_start3A_138 = arith.constant 6144 : i32
    %dma_start3A_139 = tpu.memref_slice %arg5[%dma_start3A_138] : memref<8192xi32, #tpu.memory_space<vmem>> -> memref<512xi32, #tpu.memory_space<vmem>>
    %dma_start3A_140 = arith.constant 0 : i32
    %dma_start3A_141 = arith.constant 0 : i32
    %dma_start3A_142 = tpu.memref_slice %arg2[%dma_start3A_140, %dma_start3A_141] : memref<16384x64xf32, #tpu.memory_space<hbm>> -> memref<16384x64xf32, #tpu.memory_space<hbm>>
    tpu.enqueue_indirect_dma source(%dma_start3A_142 : memref<16384x64xf32, #tpu.memory_space<hbm>>) target(%arg6 : memref<512x64xf32, #tpu.memory_space<vmem>>) offsets(%dma_start3A_139 : memref<512xi32, #tpu.memory_space<vmem>>) semaphore(%arg8 : memref<!tpu.dma_semaphore, #tpu.memory_space<semaphore_mem>>)
    %dma_wait3A_143 = arith.constant 5632 : i32
    %dma_wait3A_144 = tpu.memref_slice %arg5[%dma_wait3A_143] : memref<8192xi32, #tpu.memory_space<vmem>> -> memref<512xi32, #tpu.memory_space<vmem>>
    %dma_wait3A_145 = arith.constant 0 : i32
    %dma_wait3A_146 = arith.constant 0 : i32
    %dma_wait3A_147 = tpu.memref_slice %arg2[%dma_wait3A_145, %dma_wait3A_146] : memref<16384x64xf32, #tpu.memory_space<hbm>> -> memref<16384x64xf32, #tpu.memory_space<hbm>>
    tpu.wait_indirect_dma semaphore(%arg9 : memref<!tpu.dma_semaphore, #tpu.memory_space<semaphore_mem>>) src(%dma_wait3A_147 : memref<16384x64xf32, #tpu.memory_space<hbm>>) dst(%arg7 : memref<512x64xf32, #tpu.memory_space<vmem>>)
    %add3A_148 = arith.constant 5632 : i32
    %add3A_149 = arith.addi %mul3A_2, %add3A_148 : i32
    "tpu.region"() ({
      %run_scoped3A = tpu.sem_alloc : memref<!tpu.dma_semaphore, #tpu.memory_space<semaphore_mem>>
      %dma_start3A_193 = arith.constant 0 : i32
      %dma_start3A_194 = tpu.memref_slice %arg4[%add3A_149, %dma_start3A_193] : memref<262144x64xf32, #tpu.memory_space<hbm>> -> memref<512x64xf32, #tpu.memory_space<hbm>>
      %dma_start3A_195 = arith.constant 0 : i32
      %dma_start3A_196 = tpu.memref_slice %arg4[%add3A_149, %dma_start3A_195] : memref<262144x64xf32, #tpu.memory_space<hbm>> -> memref<512x64xf32, #tpu.memory_space<hbm>>
      tpu.enqueue_dma source(%arg7 : memref<512x64xf32, #tpu.memory_space<vmem>>) target(%dma_start3A_196 : memref<512x64xf32, #tpu.memory_space<hbm>>) target_semaphore(%run_scoped3A : memref<!tpu.dma_semaphore, #tpu.memory_space<semaphore_mem>>)
      %dma_wait3A_197 = arith.constant 0 : i32
      %dma_wait3A_198 = tpu.memref_slice %arg4[%add3A_149, %dma_wait3A_197] : memref<262144x64xf32, #tpu.memory_space<hbm>> -> memref<512x64xf32, #tpu.memory_space<hbm>>
      %dma_wait3A_199 = arith.constant 0 : i32
      %dma_wait3A_200 = tpu.memref_slice %arg4[%add3A_149, %dma_wait3A_199] : memref<262144x64xf32, #tpu.memory_space<hbm>> -> memref<512x64xf32, #tpu.memory_space<hbm>>
      tpu.wait_dma2 semaphore(%run_scoped3A : memref<!tpu.dma_semaphore, #tpu.memory_space<semaphore_mem>>) src(%arg7 : memref<512x64xf32, #tpu.memory_space<vmem>>) dst(%dma_wait3A_200 : memref<512x64xf32, #tpu.memory_space<hbm>>)
      tpu.yield
    }) : () -> ()
    %dma_start3A_150 = arith.constant 6656 : i32
    %dma_start3A_151 = tpu.memref_slice %arg5[%dma_start3A_150] : memref<8192xi32, #tpu.memory_space<vmem>> -> memref<512xi32, #tpu.memory_space<vmem>>
    %dma_start3A_152 = arith.constant 0 : i32
    %dma_start3A_153 = arith.constant 0 : i32
    %dma_start3A_154 = tpu.memref_slice %arg2[%dma_start3A_152, %dma_start3A_153] : memref<16384x64xf32, #tpu.memory_space<hbm>> -> memref<16384x64xf32, #tpu.memory_space<hbm>>
    tpu.enqueue_indirect_dma source(%dma_start3A_154 : memref<16384x64xf32, #tpu.memory_space<hbm>>) target(%arg7 : memref<512x64xf32, #tpu.memory_space<vmem>>) offsets(%dma_start3A_151 : memref<512xi32, #tpu.memory_space<vmem>>) semaphore(%arg9 : memref<!tpu.dma_semaphore, #tpu.memory_space<semaphore_mem>>)
    %dma_wait3A_155 = arith.constant 6144 : i32
    %dma_wait3A_156 = tpu.memref_slice %arg5[%dma_wait3A_155] : memref<8192xi32, #tpu.memory_space<vmem>> -> memref<512xi32, #tpu.memory_space<vmem>>
    %dma_wait3A_157 = arith.constant 0 : i32
    %dma_wait3A_158 = arith.constant 0 : i32
    %dma_wait3A_159 = tpu.memref_slice %arg2[%dma_wait3A_157, %dma_wait3A_158] : memref<16384x64xf32, #tpu.memory_space<hbm>> -> memref<16384x64xf32, #tpu.memory_space<hbm>>
    tpu.wait_indirect_dma semaphore(%arg8 : memref<!tpu.dma_semaphore, #tpu.memory_space<semaphore_mem>>) src(%dma_wait3A_159 : memref<16384x64xf32, #tpu.memory_space<hbm>>) dst(%arg6 : memref<512x64xf32, #tpu.memory_space<vmem>>)
    %add3A_160 = arith.constant 6144 : i32
    %add3A_161 = arith.addi %mul3A_2, %add3A_160 : i32
    "tpu.region"() ({
      %run_scoped3A = tpu.sem_alloc : memref<!tpu.dma_semaphore, #tpu.memory_space<semaphore_mem>>
      %dma_start3A_193 = arith.constant 0 : i32
      %dma_start3A_194 = tpu.memref_slice %arg4[%add3A_161, %dma_start3A_193] : memref<262144x64xf32, #tpu.memory_space<hbm>> -> memref<512x64xf32, #tpu.memory_space<hbm>>
      %dma_start3A_195 = arith.constant 0 : i32
      %dma_start3A_196 = tpu.memref_slice %arg4[%add3A_161, %dma_start3A_195] : memref<262144x64xf32, #tpu.memory_space<hbm>> -> memref<512x64xf32, #tpu.memory_space<hbm>>
      tpu.enqueue_dma source(%arg6 : memref<512x64xf32, #tpu.memory_space<vmem>>) target(%dma_start3A_196 : memref<512x64xf32, #tpu.memory_space<hbm>>) target_semaphore(%run_scoped3A : memref<!tpu.dma_semaphore, #tpu.memory_space<semaphore_mem>>)
      %dma_wait3A_197 = arith.constant 0 : i32
      %dma_wait3A_198 = tpu.memref_slice %arg4[%add3A_161, %dma_wait3A_197] : memref<262144x64xf32, #tpu.memory_space<hbm>> -> memref<512x64xf32, #tpu.memory_space<hbm>>
      %dma_wait3A_199 = arith.constant 0 : i32
      %dma_wait3A_200 = tpu.memref_slice %arg4[%add3A_161, %dma_wait3A_199] : memref<262144x64xf32, #tpu.memory_space<hbm>> -> memref<512x64xf32, #tpu.memory_space<hbm>>
      tpu.wait_dma2 semaphore(%run_scoped3A : memref<!tpu.dma_semaphore, #tpu.memory_space<semaphore_mem>>) src(%arg6 : memref<512x64xf32, #tpu.memory_space<vmem>>) dst(%dma_wait3A_200 : memref<512x64xf32, #tpu.memory_space<hbm>>)
      tpu.yield
    }) : () -> ()
    %dma_start3A_162 = arith.constant 7168 : i32
    %dma_start3A_163 = tpu.memref_slice %arg5[%dma_start3A_162] : memref<8192xi32, #tpu.memory_space<vmem>> -> memref<512xi32, #tpu.memory_space<vmem>>
    %dma_start3A_164 = arith.constant 0 : i32
    %dma_start3A_165 = arith.constant 0 : i32
    %dma_start3A_166 = tpu.memref_slice %arg2[%dma_start3A_164, %dma_start3A_165] : memref<16384x64xf32, #tpu.memory_space<hbm>> -> memref<16384x64xf32, #tpu.memory_space<hbm>>
    tpu.enqueue_indirect_dma source(%dma_start3A_166 : memref<16384x64xf32, #tpu.memory_space<hbm>>) target(%arg6 : memref<512x64xf32, #tpu.memory_space<vmem>>) offsets(%dma_start3A_163 : memref<512xi32, #tpu.memory_space<vmem>>) semaphore(%arg8 : memref<!tpu.dma_semaphore, #tpu.memory_space<semaphore_mem>>)
    %dma_wait3A_167 = arith.constant 6656 : i32
    %dma_wait3A_168 = tpu.memref_slice %arg5[%dma_wait3A_167] : memref<8192xi32, #tpu.memory_space<vmem>> -> memref<512xi32, #tpu.memory_space<vmem>>
    %dma_wait3A_169 = arith.constant 0 : i32
    %dma_wait3A_170 = arith.constant 0 : i32
    %dma_wait3A_171 = tpu.memref_slice %arg2[%dma_wait3A_169, %dma_wait3A_170] : memref<16384x64xf32, #tpu.memory_space<hbm>> -> memref<16384x64xf32, #tpu.memory_space<hbm>>
    tpu.wait_indirect_dma semaphore(%arg9 : memref<!tpu.dma_semaphore, #tpu.memory_space<semaphore_mem>>) src(%dma_wait3A_171 : memref<16384x64xf32, #tpu.memory_space<hbm>>) dst(%arg7 : memref<512x64xf32, #tpu.memory_space<vmem>>)
    %add3A_172 = arith.constant 6656 : i32
    %add3A_173 = arith.addi %mul3A_2, %add3A_172 : i32
    "tpu.region"() ({
      %run_scoped3A = tpu.sem_alloc : memref<!tpu.dma_semaphore, #tpu.memory_space<semaphore_mem>>
      %dma_start3A_193 = arith.constant 0 : i32
      %dma_start3A_194 = tpu.memref_slice %arg4[%add3A_173, %dma_start3A_193] : memref<262144x64xf32, #tpu.memory_space<hbm>> -> memref<512x64xf32, #tpu.memory_space<hbm>>
      %dma_start3A_195 = arith.constant 0 : i32
      %dma_start3A_196 = tpu.memref_slice %arg4[%add3A_173, %dma_start3A_195] : memref<262144x64xf32, #tpu.memory_space<hbm>> -> memref<512x64xf32, #tpu.memory_space<hbm>>
      tpu.enqueue_dma source(%arg7 : memref<512x64xf32, #tpu.memory_space<vmem>>) target(%dma_start3A_196 : memref<512x64xf32, #tpu.memory_space<hbm>>) target_semaphore(%run_scoped3A : memref<!tpu.dma_semaphore, #tpu.memory_space<semaphore_mem>>)
      %dma_wait3A_197 = arith.constant 0 : i32
      %dma_wait3A_198 = tpu.memref_slice %arg4[%add3A_173, %dma_wait3A_197] : memref<262144x64xf32, #tpu.memory_space<hbm>> -> memref<512x64xf32, #tpu.memory_space<hbm>>
      %dma_wait3A_199 = arith.constant 0 : i32
      %dma_wait3A_200 = tpu.memref_slice %arg4[%add3A_173, %dma_wait3A_199] : memref<262144x64xf32, #tpu.memory_space<hbm>> -> memref<512x64xf32, #tpu.memory_space<hbm>>
      tpu.wait_dma2 semaphore(%run_scoped3A : memref<!tpu.dma_semaphore, #tpu.memory_space<semaphore_mem>>) src(%arg7 : memref<512x64xf32, #tpu.memory_space<vmem>>) dst(%dma_wait3A_200 : memref<512x64xf32, #tpu.memory_space<hbm>>)
      tpu.yield
    }) : () -> ()
    %dma_start3A_174 = arith.constant 7680 : i32
    %dma_start3A_175 = tpu.memref_slice %arg5[%dma_start3A_174] : memref<8192xi32, #tpu.memory_space<vmem>> -> memref<512xi32, #tpu.memory_space<vmem>>
    %dma_start3A_176 = arith.constant 0 : i32
    %dma_start3A_177 = arith.constant 0 : i32
    %dma_start3A_178 = tpu.memref_slice %arg2[%dma_start3A_176, %dma_start3A_177] : memref<16384x64xf32, #tpu.memory_space<hbm>> -> memref<16384x64xf32, #tpu.memory_space<hbm>>
    tpu.enqueue_indirect_dma source(%dma_start3A_178 : memref<16384x64xf32, #tpu.memory_space<hbm>>) target(%arg7 : memref<512x64xf32, #tpu.memory_space<vmem>>) offsets(%dma_start3A_175 : memref<512xi32, #tpu.memory_space<vmem>>) semaphore(%arg9 : memref<!tpu.dma_semaphore, #tpu.memory_space<semaphore_mem>>)
    %dma_wait3A_179 = arith.constant 7168 : i32
    %dma_wait3A_180 = tpu.memref_slice %arg5[%dma_wait3A_179] : memref<8192xi32, #tpu.memory_space<vmem>> -> memref<512xi32, #tpu.memory_space<vmem>>
    %dma_wait3A_181 = arith.constant 0 : i32
    %dma_wait3A_182 = arith.constant 0 : i32
    %dma_wait3A_183 = tpu.memref_slice %arg2[%dma_wait3A_181, %dma_wait3A_182] : memref<16384x64xf32, #tpu.memory_space<hbm>> -> memref<16384x64xf32, #tpu.memory_space<hbm>>
    tpu.wait_indirect_dma semaphore(%arg8 : memref<!tpu.dma_semaphore, #tpu.memory_space<semaphore_mem>>) src(%dma_wait3A_183 : memref<16384x64xf32, #tpu.memory_space<hbm>>) dst(%arg6 : memref<512x64xf32, #tpu.memory_space<vmem>>)
    %add3A_184 = arith.constant 7168 : i32
    %add3A_185 = arith.addi %mul3A_2, %add3A_184 : i32
    "tpu.region"() ({
      %run_scoped3A = tpu.sem_alloc : memref<!tpu.dma_semaphore, #tpu.memory_space<semaphore_mem>>
      %dma_start3A_193 = arith.constant 0 : i32
      %dma_start3A_194 = tpu.memref_slice %arg4[%add3A_185, %dma_start3A_193] : memref<262144x64xf32, #tpu.memory_space<hbm>> -> memref<512x64xf32, #tpu.memory_space<hbm>>
      %dma_start3A_195 = arith.constant 0 : i32
      %dma_start3A_196 = tpu.memref_slice %arg4[%add3A_185, %dma_start3A_195] : memref<262144x64xf32, #tpu.memory_space<hbm>> -> memref<512x64xf32, #tpu.memory_space<hbm>>
      tpu.enqueue_dma source(%arg6 : memref<512x64xf32, #tpu.memory_space<vmem>>) target(%dma_start3A_196 : memref<512x64xf32, #tpu.memory_space<hbm>>) target_semaphore(%run_scoped3A : memref<!tpu.dma_semaphore, #tpu.memory_space<semaphore_mem>>)
      %dma_wait3A_197 = arith.constant 0 : i32
      %dma_wait3A_198 = tpu.memref_slice %arg4[%add3A_185, %dma_wait3A_197] : memref<262144x64xf32, #tpu.memory_space<hbm>> -> memref<512x64xf32, #tpu.memory_space<hbm>>
      %dma_wait3A_199 = arith.constant 0 : i32
      %dma_wait3A_200 = tpu.memref_slice %arg4[%add3A_185, %dma_wait3A_199] : memref<262144x64xf32, #tpu.memory_space<hbm>> -> memref<512x64xf32, #tpu.memory_space<hbm>>
      tpu.wait_dma2 semaphore(%run_scoped3A : memref<!tpu.dma_semaphore, #tpu.memory_space<semaphore_mem>>) src(%arg6 : memref<512x64xf32, #tpu.memory_space<vmem>>) dst(%dma_wait3A_200 : memref<512x64xf32, #tpu.memory_space<hbm>>)
      tpu.yield
    }) : () -> ()
    %dma_wait3A_186 = arith.constant 7680 : i32
    %dma_wait3A_187 = tpu.memref_slice %arg5[%dma_wait3A_186] : memref<8192xi32, #tpu.memory_space<vmem>> -> memref<512xi32, #tpu.memory_space<vmem>>
    %dma_wait3A_188 = arith.constant 0 : i32
    %dma_wait3A_189 = arith.constant 0 : i32
    %dma_wait3A_190 = tpu.memref_slice %arg2[%dma_wait3A_188, %dma_wait3A_189] : memref<16384x64xf32, #tpu.memory_space<hbm>> -> memref<16384x64xf32, #tpu.memory_space<hbm>>
    tpu.wait_indirect_dma semaphore(%arg9 : memref<!tpu.dma_semaphore, #tpu.memory_space<semaphore_mem>>) src(%dma_wait3A_190 : memref<16384x64xf32, #tpu.memory_space<hbm>>) dst(%arg7 : memref<512x64xf32, #tpu.memory_space<vmem>>)
    %add3A_191 = arith.constant 7680 : i32
    %add3A_192 = arith.addi %mul3A_2, %add3A_191 : i32
    "tpu.region"() ({
      %run_scoped3A = tpu.sem_alloc : memref<!tpu.dma_semaphore, #tpu.memory_space<semaphore_mem>>
      %dma_start3A_193 = arith.constant 0 : i32
      %dma_start3A_194 = tpu.memref_slice %arg4[%add3A_192, %dma_start3A_193] : memref<262144x64xf32, #tpu.memory_space<hbm>> -> memref<512x64xf32, #tpu.memory_space<hbm>>
      %dma_start3A_195 = arith.constant 0 : i32
      %dma_start3A_196 = tpu.memref_slice %arg4[%add3A_192, %dma_start3A_195] : memref<262144x64xf32, #tpu.memory_space<hbm>> -> memref<512x64xf32, #tpu.memory_space<hbm>>
      tpu.enqueue_dma source(%arg7 : memref<512x64xf32, #tpu.memory_space<vmem>>) target(%dma_start3A_196 : memref<512x64xf32, #tpu.memory_space<hbm>>) target_semaphore(%run_scoped3A : memref<!tpu.dma_semaphore, #tpu.memory_space<semaphore_mem>>)
      %dma_wait3A_197 = arith.constant 0 : i32
      %dma_wait3A_198 = tpu.memref_slice %arg4[%add3A_192, %dma_wait3A_197] : memref<262144x64xf32, #tpu.memory_space<hbm>> -> memref<512x64xf32, #tpu.memory_space<hbm>>
      %dma_wait3A_199 = arith.constant 0 : i32
      %dma_wait3A_200 = tpu.memref_slice %arg4[%add3A_192, %dma_wait3A_199] : memref<262144x64xf32, #tpu.memory_space<hbm>> -> memref<512x64xf32, #tpu.memory_space<hbm>>
      tpu.wait_dma2 semaphore(%run_scoped3A : memref<!tpu.dma_semaphore, #tpu.memory_space<semaphore_mem>>) src(%arg7 : memref<512x64xf32, #tpu.memory_space<vmem>>) dst(%dma_wait3A_200 : memref<512x64xf32, #tpu.memory_space<hbm>>)
      tpu.yield
    }) : () -> ()
    return
  }
}

module attributes {stable_mosaic.version = 14 : i64} {
  func.func @_pre_body(%arg0: i32, %arg1: memref<4096x64xf32, #tpu.memory_space<vmem>>, %arg2: memref<64x320xf32, #tpu.memory_space<vmem>>, %arg3: memref<1x320xf32, #tpu.memory_space<vmem>>, %arg4: memref<4096x320xf32, #tpu.memory_space<vmem>>) attributes {dimension_semantics = [#tpu.dimension_semantics<arbitrary>], iteration_bounds = array<i64: 4>, scalar_prefetch = 0 : i64, scratch_operands = 0 : i64, tpu.core_type = #tpu.core_type<tc>, window_params = [{transform_indices = @transform_0, window_bounds = array<i64: 4096, 64>}, {pipeline_mode = #tpu.pipeline_mode<synchronous>, transform_indices = @transform_1, window_bounds = array<i64: 64, 320>}, {pipeline_mode = #tpu.pipeline_mode<synchronous>, transform_indices = @transform_2, window_bounds = array<i64: 1, 320>}, {transform_indices = @transform_3, window_bounds = array<i64: 4096, 320>}]} {
    %get3A = arith.constant 0 : index
    %get3A_0 = arith.constant 0 : index
    %get3A_1 = vector.load %arg1[%get3A, %get3A_0] : memref<4096x64xf32, #tpu.memory_space<vmem>>, vector<4096x64xf32>
    %get3A_2 = arith.constant 0 : index
    %get3A_3 = arith.constant 0 : index
    %get3A_4 = vector.load %arg2[%get3A_2, %get3A_3] : memref<64x320xf32, #tpu.memory_space<vmem>>, vector<64x320xf32>
    %dot_general3A = arith.constant dense<0.000000e+00> : vector<4096x320xf32>
    %dot_general3A_5 = tpu.matmul %get3A_1, %get3A_4, %dot_general3A {dimension_numbers = #tpu.dot_dimension_numbers<[1], [0], [0], [1], [0, 0, 1, 1], [], []>, precision = #tpu.contract_precision<fp32>, transpose_lhs_hint = false} : vector<4096x64xf32>, vector<64x320xf32>, vector<4096x320xf32> -> vector<4096x320xf32>
    %get3A_6 = arith.constant 0 : index
    %get3A_7 = arith.constant 0 : index
    %get3A_8 = vector.load %arg3[%get3A_6, %get3A_7] : memref<1x320xf32, #tpu.memory_space<vmem>>, vector<1x320xf32>
    %add3A = vector.broadcast %get3A_8 : vector<1x320xf32> to vector<4096x320xf32>
    %add3A_9 = arith.addf %dot_general3A_5, %add3A : vector<4096x320xf32>
    %swap3A = arith.constant 0 : index
    %swap3A_10 = arith.constant 0 : index
    %swap3A_11 = vector.load %arg4[%swap3A, %swap3A_10] : memref<4096x320xf32, #tpu.memory_space<vmem>>, vector<4096x320xf32>
    tpu.vector_store %arg4[%swap3A, %swap3A_10], %add3A_9 {strides = array<i32>} : memref<4096x320xf32, #tpu.memory_space<vmem>>, vector<4096x320xf32>,
    return
  }
  func.func @transform_0(%arg0: i32) -> (i32, i32) {
    %c0_i32 = arith.constant 0 : i32
    %c0_i32_0 = arith.constant 0 : i32
    return %arg0, %c0_i32 : i32, i32
  }
  func.func @transform_1(%arg0: i32) -> (i32, i32) {
    %c0_i32 = arith.constant 0 : i32
    %c0_i32_0 = arith.constant 0 : i32
    %c0_i32_1 = arith.constant 0 : i32
    return %c0_i32, %c0_i32_0 : i32, i32
  }
  func.func @transform_2(%arg0: i32) -> (i32, i32) {
    %c0_i32 = arith.constant 0 : i32
    %c0_i32_0 = arith.constant 0 : i32
    %c0_i32_1 = arith.constant 0 : i32
    return %c0_i32, %c0_i32_0 : i32, i32
  }
  func.func @transform_3(%arg0: i32) -> (i32, i32) {
    %c0_i32 = arith.constant 0 : i32
    %c0_i32_0 = arith.constant 0 : i32
    return %arg0, %c0_i32 : i32, i32
  }
}

module attributes {stable_mosaic.version = 14 : i64} {
  func.func @_stats0_body(%arg0: i32, %arg1: memref<2048x64xf32, #tpu.memory_space<vmem>>, %arg2: memref<2048x64xf32, #tpu.memory_space<vmem>>, %arg3: memref<2x64xf32, #tpu.memory_space<vmem>>, %arg4: memref<2x64xf32, #tpu.memory_space<vmem>>) attributes {dimension_semantics = [#tpu.dimension_semantics<arbitrary>], iteration_bounds = array<i64: 128>, scalar_prefetch = 0 : i64, scratch_operands = 1 : i64, tpu.core_type = #tpu.core_type<tc>, window_params = [{transform_indices = @transform_0, window_bounds = array<i64: 2048, 64>}, {transform_indices = @transform_1, window_bounds = array<i64: 2048, 64>}, {pipeline_mode = #tpu.pipeline_mode<synchronous>, transform_indices = @transform_2, window_bounds = array<i64: 2, 64>}]} {
    %eq3A = arith.constant 0 : i32
    %eq3A_0 = arith.cmpi eq, %arg0, %eq3A : i32
    %convert_element_type3A = arith.extui %eq3A_0 : i1 to i32
    %cond3A = arith.constant 0 : i32
    %cond3A_1 = arith.cmpi ne, %convert_element_type3A, %cond3A : i32
    scf.if %cond3A_1 {
      %broadcast_in_dim3A_29 = arith.constant 0.000000e+00 : f32
      %broadcast_in_dim3A_30 = vector.broadcast %broadcast_in_dim3A_29 : f32 to vector<2x64xf32>
      %swap3A_31 = arith.constant 0 : index
      %swap3A_32 = arith.constant 0 : index
      %swap3A_33 = vector.load %arg4[%swap3A_31, %swap3A_32] : memref<2x64xf32, #tpu.memory_space<vmem>>, vector<2x64xf32>
      tpu.vector_store %arg4[%swap3A_31, %swap3A_32], %broadcast_in_dim3A_30 {strides = array<i32>} : memref<2x64xf32, #tpu.memory_space<vmem>>, vector<2x64xf32>,
    } else {
    }
    %get3A = arith.constant 0 : index
    %get3A_2 = arith.constant 0 : index
    %get3A_3 = vector.load %arg1[%get3A, %get3A_2] : memref<2048x64xf32, #tpu.memory_space<vmem>>, vector<2048x64xf32>
    %get3A_4 = arith.constant 0 : index
    %get3A_5 = arith.constant 0 : index
    %get3A_6 = vector.load %arg2[%get3A_4, %get3A_5] : memref<2048x64xf32, #tpu.memory_space<vmem>>, vector<2048x64xf32>
    %add3A = arith.addf %get3A_3, %get3A_6 : vector<2048x64xf32>
    %get3A_7 = arith.constant 0 : index
    %get3A_8 = arith.constant 0 : index
    %get3A_9 = vector.load %arg4[%get3A_7, %get3A_8] : memref<2x64xf32, #tpu.memory_space<vmem>>, vector<1x64xf32>
    %reduce_sum3A = arith.constant dense<0.000000e+00> : vector<64xf32>
    %reduce_sum3A_10 = vector.multi_reduction <add>, %add3A, %reduce_sum3A [0] : vector<2048x64xf32> to vector<64xf32>
    %broadcast_in_dim3A = vector.shape_cast %reduce_sum3A_10 : vector<64xf32> to vector<1x64xf32>
    %add3A_11 = arith.addf %get3A_9, %broadcast_in_dim3A : vector<1x64xf32>
    %swap3A = arith.constant 0 : index
    %swap3A_12 = arith.constant 0 : index
    %swap3A_13 = vector.load %arg4[%swap3A, %swap3A_12] : memref<2x64xf32, #tpu.memory_space<vmem>>, vector<1x64xf32>
    tpu.vector_store %arg4[%swap3A, %swap3A_12], %add3A_11 {strides = array<i32>} : memref<2x64xf32, #tpu.memory_space<vmem>>, vector<1x64xf32>,
    %get3A_14 = arith.constant 1 : index
    %get3A_15 = arith.constant 0 : index
    %get3A_16 = vector.load %arg4[%get3A_14, %get3A_15] : memref<2x64xf32, #tpu.memory_space<vmem>>, vector<1x64xf32>
    %mul3A = arith.mulf %add3A, %add3A : vector<2048x64xf32>
    %reduce_sum3A_17 = arith.constant dense<0.000000e+00> : vector<64xf32>
    %reduce_sum3A_18 = vector.multi_reduction <add>, %mul3A, %reduce_sum3A_17 [0] : vector<2048x64xf32> to vector<64xf32>
    %broadcast_in_dim3A_19 = vector.shape_cast %reduce_sum3A_18 : vector<64xf32> to vector<1x64xf32>
    %add3A_20 = arith.addf %get3A_16, %broadcast_in_dim3A_19 : vector<1x64xf32>
    %swap3A_21 = arith.constant 1 : index
    %swap3A_22 = arith.constant 0 : index
    %swap3A_23 = vector.load %arg4[%swap3A_21, %swap3A_22] : memref<2x64xf32, #tpu.memory_space<vmem>>, vector<1x64xf32>
    tpu.vector_store %arg4[%swap3A_21, %swap3A_22], %add3A_20 {strides = array<i32>} : memref<2x64xf32, #tpu.memory_space<vmem>>, vector<1x64xf32>,
    %eq3A_24 = arith.constant 127 : i32
    %eq3A_25 = arith.cmpi eq, %arg0, %eq3A_24 : i32
    %convert_element_type3A_26 = arith.extui %eq3A_25 : i1 to i32
    %cond3A_27 = arith.constant 0 : i32
    %cond3A_28 = arith.cmpi ne, %convert_element_type3A_26, %cond3A_27 : i32
    scf.if %cond3A_28 {
      %get3A_29 = arith.constant 0 : index
      %get3A_30 = arith.constant 0 : index
      %get3A_31 = vector.load %arg4[%get3A_29, %get3A_30] : memref<2x64xf32, #tpu.memory_space<vmem>>, vector<2x64xf32>
      %swap3A_32 = arith.constant 0 : index
      %swap3A_33 = arith.constant 0 : index
      %swap3A_34 = vector.load %arg3[%swap3A_32, %swap3A_33] : memref<2x64xf32, #tpu.memory_space<vmem>>, vector<2x64xf32>
      tpu.vector_store %arg3[%swap3A_32, %swap3A_33], %get3A_31 {strides = array<i32>} : memref<2x64xf32, #tpu.memory_space<vmem>>, vector<2x64xf32>,
    } else {
    }
    return
  }
  func.func @transform_0(%arg0: i32) -> (i32, i32) {
    %c0_i32 = arith.constant 0 : i32
    %c0_i32_0 = arith.constant 0 : i32
    return %arg0, %c0_i32 : i32, i32
  }
  func.func @transform_1(%arg0: i32) -> (i32, i32) {
    %rem3A = arith.constant 8 : i32
    %rem3A_0 = arith.remsi %arg0, %rem3A : i32
    %c0_i32 = arith.constant 0 : i32
    %c0_i32_1 = arith.constant 0 : i32
    return %rem3A_0, %c0_i32 : i32, i32
  }
  func.func @transform_2(%arg0: i32) -> (i32, i32) {
    %c0_i32 = arith.constant 0 : i32
    %c0_i32_0 = arith.constant 0 : i32
    %c0_i32_1 = arith.constant 0 : i32
    return %c0_i32, %c0_i32_0 : i32, i32
  }
}

module attributes {stable_mosaic.version = 14 : i64} {
  func.func @_l1_body(%arg0: i32, %arg1: memref<2048x64xf32, #tpu.memory_space<vmem>>, %arg2: memref<2048x64xf32, #tpu.memory_space<vmem>>, %arg3: memref<2048x64xf32, #tpu.memory_space<vmem>>, %arg4: memref<2x64xf32, #tpu.memory_space<vmem>>, %arg5: memref<2x64xf32, #tpu.memory_space<vmem>>, %arg6: memref<64x64xf32, #tpu.memory_space<vmem>>, %arg7: memref<2048x64xf32, #tpu.memory_space<vmem>>, %arg8: memref<2x64xf32, #tpu.memory_space<vmem>>, %arg9: memref<2x64xf32, #tpu.memory_space<vmem>>) attributes {dimension_semantics = [#tpu.dimension_semantics<arbitrary>], iteration_bounds = array<i64: 128>, scalar_prefetch = 0 : i64, scratch_operands = 1 : i64, tpu.core_type = #tpu.core_type<tc>, window_params = [{transform_indices = @transform_0, window_bounds = array<i64: 2048, 64>}, {transform_indices = @transform_1, window_bounds = array<i64: 2048, 64>}, {transform_indices = @transform_2, window_bounds = array<i64: 2048, 64>}, {pipeline_mode = #tpu.pipeline_mode<synchronous>, transform_indices = @transform_3, window_bounds = array<i64: 2, 64>}, {pipeline_mode = #tpu.pipeline_mode<synchronous>, transform_indices = @transform_4, window_bounds = array<i64: 2, 64>}, {pipeline_mode = #tpu.pipeline_mode<synchronous>, transform_indices = @transform_5, window_bounds = array<i64: 64, 64>}, {transform_indices = @transform_6, window_bounds = array<i64: 2048, 64>}, {pipeline_mode = #tpu.pipeline_mode<synchronous>, transform_indices = @transform_7, window_bounds = array<i64: 2, 64>}]} {
    %get3A = arith.constant 0 : index
    %get3A_0 = arith.constant 0 : index
    %get3A_1 = vector.load %arg4[%get3A, %get3A_0] : memref<2x64xf32, #tpu.memory_space<vmem>>, vector<2x64xf32>
    %slice3A = vector.extract_strided_slice %get3A_1 {offsets = [0, 0], sizes = [1, 64], strides = [1, 1]} : vector<2x64xf32> to vector<1x64xf32>
    %mul3A = arith.constant 3.81469727E-6 : f32
    %mul3A_2 = vector.broadcast %mul3A : f32 to vector<1x64xf32>
    %mul3A_3 = arith.mulf %slice3A, %mul3A_2 : vector<1x64xf32>
    %slice3A_4 = vector.extract_strided_slice %get3A_1 {offsets = [1, 0], sizes = [1, 64], strides = [1, 1]} : vector<2x64xf32> to vector<1x64xf32>
    %mul3A_5 = arith.constant 3.81469727E-6 : f32
    %mul3A_6 = vector.broadcast %mul3A_5 : f32 to vector<1x64xf32>
    %mul3A_7 = arith.mulf %slice3A_4, %mul3A_6 : vector<1x64xf32>
    %mul3A_8 = arith.mulf %mul3A_3, %mul3A_3 : vector<1x64xf32>
    %sub3A = arith.subf %mul3A_7, %mul3A_8 : vector<1x64xf32>
    %add3A = arith.constant 9.99999974E-6 : f32
    %add3A_9 = vector.broadcast %add3A : f32 to vector<1x64xf32>
    %add3A_10 = arith.addf %sub3A, %add3A_9 : vector<1x64xf32>
    %rsqrt3A = math.rsqrt %add3A_10 : vector<1x64xf32>
    %get3A_11 = arith.constant 0 : index
    %get3A_12 = arith.constant 0 : index
    %get3A_13 = vector.load %arg5[%get3A_11, %get3A_12] : memref<2x64xf32, #tpu.memory_space<vmem>>, vector<1x64xf32>
    %mul3A_14 = arith.mulf %rsqrt3A, %get3A_13 : vector<1x64xf32>
    %get3A_15 = arith.constant 1 : index
    %get3A_16 = arith.constant 0 : index
    %get3A_17 = vector.load %arg5[%get3A_15, %get3A_16] : memref<2x64xf32, #tpu.memory_space<vmem>>, vector<1x64xf32>
    %mul3A_18 = arith.mulf %mul3A_3, %mul3A_14 : vector<1x64xf32>
    %sub3A_19 = arith.subf %get3A_17, %mul3A_18 : vector<1x64xf32>
    %get3A_20 = arith.constant 0 : index
    %get3A_21 = arith.constant 0 : index
    %get3A_22 = vector.load %arg1[%get3A_20, %get3A_21] : memref<2048x64xf32, #tpu.memory_space<vmem>>, vector<2048x64xf32>
    %get3A_23 = arith.constant 0 : index
    %get3A_24 = arith.constant 0 : index
    %get3A_25 = vector.load %arg2[%get3A_23, %get3A_24] : memref<2048x64xf32, #tpu.memory_space<vmem>>, vector<2048x64xf32>
    %add3A_26 = arith.addf %get3A_22, %get3A_25 : vector<2048x64xf32>
    %mul3A_27 = vector.broadcast %mul3A_14 : vector<1x64xf32> to vector<2048x64xf32>
    %mul3A_28 = arith.mulf %add3A_26, %mul3A_27 : vector<2048x64xf32>
    %add3A_29 = vector.broadcast %sub3A_19 : vector<1x64xf32> to vector<2048x64xf32>
    %add3A_30 = arith.addf %mul3A_28, %add3A_29 : vector<2048x64xf32>
    %max3A = arith.constant 0.000000e+00 : f32
    %max3A_31 = vector.broadcast %max3A : f32 to vector<2048x64xf32>
    %max3A_32 = arith.maximumf %add3A_30, %max3A_31 : vector<2048x64xf32>
    %get3A_33 = arith.constant 0 : index
    %get3A_34 = arith.constant 0 : index
    %get3A_35 = vector.load %arg6[%get3A_33, %get3A_34] : memref<64x64xf32, #tpu.memory_space<vmem>>, vector<64x64xf32>
    %dot_general3A = arith.constant dense<0.000000e+00> : vector<2048x64xf32>
    %dot_general3A_36 = tpu.matmul %max3A_32, %get3A_35, %dot_general3A {dimension_numbers = #tpu.dot_dimension_numbers<[1], [0], [0], [1], [0, 0, 1, 1], [], []>, precision = #tpu.contract_precision<fp32>, transpose_lhs_hint = false} : vector<2048x64xf32>, vector<64x64xf32>, vector<2048x64xf32> -> vector<2048x64xf32>
    %get3A_37 = arith.constant 0 : index
    %get3A_38 = arith.constant 0 : index
    %get3A_39 = vector.load %arg3[%get3A_37, %get3A_38] : memref<2048x64xf32, #tpu.memory_space<vmem>>, vector<2048x64xf32>
    %add3A_40 = arith.addf %dot_general3A_36, %get3A_39 : vector<2048x64xf32>
    %swap3A = arith.constant 0 : index
    %swap3A_41 = arith.constant 0 : index
    %swap3A_42 = vector.load %arg7[%swap3A, %swap3A_41] : memref<2048x64xf32, #tpu.memory_space<vmem>>, vector<2048x64xf32>
    tpu.vector_store %arg7[%swap3A, %swap3A_41], %add3A_40 {strides = array<i32>} : memref<2048x64xf32, #tpu.memory_space<vmem>>, vector<2048x64xf32>,
    %eq3A = arith.constant 0 : i32
    %eq3A_43 = arith.cmpi eq, %arg0, %eq3A : i32
    %convert_element_type3A = arith.extui %eq3A_43 : i1 to i32
    %cond3A = arith.constant 0 : i32
    %cond3A_44 = arith.cmpi ne, %convert_element_type3A, %cond3A : i32
    scf.if %cond3A_44 {
      %broadcast_in_dim3A_69 = arith.constant 0.000000e+00 : f32
      %broadcast_in_dim3A_70 = vector.broadcast %broadcast_in_dim3A_69 : f32 to vector<2x64xf32>
      %swap3A_71 = arith.constant 0 : index
      %swap3A_72 = arith.constant 0 : index
      %swap3A_73 = vector.load %arg9[%swap3A_71, %swap3A_72] : memref<2x64xf32, #tpu.memory_space<vmem>>, vector<2x64xf32>
      tpu.vector_store %arg9[%swap3A_71, %swap3A_72], %broadcast_in_dim3A_70 {strides = array<i32>} : memref<2x64xf32, #tpu.memory_space<vmem>>, vector<2x64xf32>,
    } else {
    }
    %get3A_45 = arith.constant 0 : index
    %get3A_46 = arith.constant 0 : index
    %get3A_47 = vector.load %arg9[%get3A_45, %get3A_46] : memref<2x64xf32, #tpu.memory_space<vmem>>, vector<1x64xf32>
    %reduce_sum3A = arith.constant dense<0.000000e+00> : vector<64xf32>
    %reduce_sum3A_48 = vector.multi_reduction <add>, %add3A_40, %reduce_sum3A [0] : vector<2048x64xf32> to vector<64xf32>
    %broadcast_in_dim3A = vector.shape_cast %reduce_sum3A_48 : vector<64xf32> to vector<1x64xf32>
    %add3A_49 = arith.addf %get3A_47, %broadcast_in_dim3A : vector<1x64xf32>
    %swap3A_50 = arith.constant 0 : index
    %swap3A_51 = arith.constant 0 : index
    %swap3A_52 = vector.load %arg9[%swap3A_50, %swap3A_51] : memref<2x64xf32, #tpu.memory_space<vmem>>, vector<1x64xf32>
    tpu.vector_store %arg9[%swap3A_50, %swap3A_51], %add3A_49 {strides = array<i32>} : memref<2x64xf32, #tpu.memory_space<vmem>>, vector<1x64xf32>,
    %get3A_53 = arith.constant 1 : index
    %get3A_54 = arith.constant 0 : index
    %get3A_55 = vector.load %arg9[%get3A_53, %get3A_54] : memref<2x64xf32, #tpu.memory_space<vmem>>, vector<1x64xf32>
    %mul3A_56 = arith.mulf %add3A_40, %add3A_40 : vector<2048x64xf32>
    %reduce_sum3A_57 = arith.constant dense<0.000000e+00> : vector<64xf32>
    %reduce_sum3A_58 = vector.multi_reduction <add>, %mul3A_56, %reduce_sum3A_57 [0] : vector<2048x64xf32> to vector<64xf32>
    %broadcast_in_dim3A_59 = vector.shape_cast %reduce_sum3A_58 : vector<64xf32> to vector<1x64xf32>
    %add3A_60 = arith.addf %get3A_55, %broadcast_in_dim3A_59 : vector<1x64xf32>
    %swap3A_61 = arith.constant 1 : index
    %swap3A_62 = arith.constant 0 : index
    %swap3A_63 = vector.load %arg9[%swap3A_61, %swap3A_62] : memref<2x64xf32, #tpu.memory_space<vmem>>, vector<1x64xf32>
    tpu.vector_store %arg9[%swap3A_61, %swap3A_62], %add3A_60 {strides = array<i32>} : memref<2x64xf32, #tpu.memory_space<vmem>>, vector<1x64xf32>,
    %eq3A_64 = arith.constant 127 : i32
    %eq3A_65 = arith.cmpi eq, %arg0, %eq3A_64 : i32
    %convert_element_type3A_66 = arith.extui %eq3A_65 : i1 to i32
    %cond3A_67 = arith.constant 0 : i32
    %cond3A_68 = arith.cmpi ne, %convert_element_type3A_66, %cond3A_67 : i32
    scf.if %cond3A_68 {
      %get3A_69 = arith.constant 0 : index
      %get3A_70 = arith.constant 0 : index
      %get3A_71 = vector.load %arg9[%get3A_69, %get3A_70] : memref<2x64xf32, #tpu.memory_space<vmem>>, vector<2x64xf32>
      %swap3A_72 = arith.constant 0 : index
      %swap3A_73 = arith.constant 0 : index
      %swap3A_74 = vector.load %arg8[%swap3A_72, %swap3A_73] : memref<2x64xf32, #tpu.memory_space<vmem>>, vector<2x64xf32>
      tpu.vector_store %arg8[%swap3A_72, %swap3A_73], %get3A_71 {strides = array<i32>} : memref<2x64xf32, #tpu.memory_space<vmem>>, vector<2x64xf32>,
    } else {
    }
    return
  }
  func.func @transform_0(%arg0: i32) -> (i32, i32) {
    %c0_i32 = arith.constant 0 : i32
    %c0_i32_0 = arith.constant 0 : i32
    return %arg0, %c0_i32 : i32, i32
  }
  func.func @transform_1(%arg0: i32) -> (i32, i32) {
    %rem3A = arith.constant 8 : i32
    %rem3A_0 = arith.remsi %arg0, %rem3A : i32
    %c0_i32 = arith.constant 0 : i32
    %c0_i32_1 = arith.constant 0 : i32
    return %rem3A_0, %c0_i32 : i32, i32
  }
  func.func @transform_2(%arg0: i32) -> (i32, i32) {
    %rem3A = arith.constant 8 : i32
    %rem3A_0 = arith.remsi %arg0, %rem3A : i32
    %c0_i32 = arith.constant 0 : i32
    %c0_i32_1 = arith.constant 0 : i32
    return %rem3A_0, %c0_i32 : i32, i32
  }
  func.func @transform_3(%arg0: i32) -> (i32, i32) {
    %c0_i32 = arith.constant 0 : i32
    %c0_i32_0 = arith.constant 0 : i32
    %c0_i32_1 = arith.constant 0 : i32
    return %c0_i32, %c0_i32_0 : i32, i32
  }
  func.func @transform_4(%arg0: i32) -> (i32, i32) {
    %c0_i32 = arith.constant 0 : i32
    %c0_i32_0 = arith.constant 0 : i32
    %c0_i32_1 = arith.constant 0 : i32
    return %c0_i32, %c0_i32_0 : i32, i32
  }
  func.func @transform_5(%arg0: i32) -> (i32, i32) {
    %c0_i32 = arith.constant 0 : i32
    %c0_i32_0 = arith.constant 0 : i32
    %c0_i32_1 = arith.constant 0 : i32
    return %c0_i32, %c0_i32_0 : i32, i32
  }
  func.func @transform_6(%arg0: i32) -> (i32, i32) {
    %c0_i32 = arith.constant 0 : i32
    %c0_i32_0 = arith.constant 0 : i32
    return %arg0, %c0_i32 : i32, i32
  }
  func.func @transform_7(%arg0: i32) -> (i32, i32) {
    %c0_i32 = arith.constant 0 : i32
    %c0_i32_0 = arith.constant 0 : i32
    %c0_i32_1 = arith.constant 0 : i32
    return %c0_i32, %c0_i32_0 : i32, i32
  }
}

module attributes {stable_mosaic.version = 14 : i64} {
  func.func @_l2_body(%arg0: i32, %arg1: memref<2048x64xf32, #tpu.memory_space<vmem>>, %arg2: memref<2048x64xf32, #tpu.memory_space<vmem>>, %arg3: memref<2048x64xf32, #tpu.memory_space<vmem>>, %arg4: memref<2048x64xf32, #tpu.memory_space<vmem>>, %arg5: memref<2x64xf32, #tpu.memory_space<vmem>>, %arg6: memref<2x64xf32, #tpu.memory_space<vmem>>, %arg7: memref<2x64xf32, #tpu.memory_space<vmem>>, %arg8: memref<2x64xf32, #tpu.memory_space<vmem>>, %arg9: memref<64x64xf32, #tpu.memory_space<vmem>>, %arg10: memref<64x64xf32, #tpu.memory_space<vmem>>, %arg11: memref<2048x64xf32, #tpu.memory_space<vmem>>, %arg12: memref<2x64xf32, #tpu.memory_space<vmem>>, %arg13: memref<2x64xf32, #tpu.memory_space<vmem>>) attributes {dimension_semantics = [#tpu.dimension_semantics<arbitrary>], iteration_bounds = array<i64: 128>, scalar_prefetch = 0 : i64, scratch_operands = 1 : i64, tpu.core_type = #tpu.core_type<tc>, window_params = [{transform_indices = @transform_0, window_bounds = array<i64: 2048, 64>}, {transform_indices = @transform_1, window_bounds = array<i64: 2048, 64>}, {transform_indices = @transform_2, window_bounds = array<i64: 2048, 64>}, {transform_indices = @transform_3, window_bounds = array<i64: 2048, 64>}, {pipeline_mode = #tpu.pipeline_mode<synchronous>, transform_indices = @transform_4, window_bounds = array<i64: 2, 64>}, {pipeline_mode = #tpu.pipeline_mode<synchronous>, transform_indices = @transform_5, window_bounds = array<i64: 2, 64>}, {pipeline_mode = #tpu.pipeline_mode<synchronous>, transform_indices = @transform_6, window_bounds = array<i64: 2, 64>}, {pipeline_mode = #tpu.pipeline_mode<synchronous>, transform_indices = @transform_7, window_bounds = array<i64: 2, 64>}, {pipeline_mode = #tpu.pipeline_mode<synchronous>, transform_indices = @transform_8, window_bounds = array<i64: 64, 64>}, {pipeline_mode = #tpu.pipeline_mode<synchronous>, transform_indices = @transform_9, window_bounds = array<i64: 64, 64>}, {transform_indices = @transform_10, window_bounds = array<i64: 2048, 64>}, {pipeline_mode = #tpu.pipeline_mode<synchronous>, transform_indices = @transform_11, window_bounds = array<i64: 2, 64>}]} {
    %get3A = arith.constant 0 : index
    %get3A_0 = arith.constant 0 : index
    %get3A_1 = vector.load %arg5[%get3A, %get3A_0] : memref<2x64xf32, #tpu.memory_space<vmem>>, vector<2x64xf32>
    %slice3A = vector.extract_strided_slice %get3A_1 {offsets = [0, 0], sizes = [1, 64], strides = [1, 1]} : vector<2x64xf32> to vector<1x64xf32>
    %mul3A = arith.constant 3.81469727E-6 : f32
    %mul3A_2 = vector.broadcast %mul3A : f32 to vector<1x64xf32>
    %mul3A_3 = arith.mulf %slice3A, %mul3A_2 : vector<1x64xf32>
    %slice3A_4 = vector.extract_strided_slice %get3A_1 {offsets = [1, 0], sizes = [1, 64], strides = [1, 1]} : vector<2x64xf32> to vector<1x64xf32>
    %mul3A_5 = arith.constant 3.81469727E-6 : f32
    %mul3A_6 = vector.broadcast %mul3A_5 : f32 to vector<1x64xf32>
    %mul3A_7 = arith.mulf %slice3A_4, %mul3A_6 : vector<1x64xf32>
    %mul3A_8 = arith.mulf %mul3A_3, %mul3A_3 : vector<1x64xf32>
    %sub3A = arith.subf %mul3A_7, %mul3A_8 : vector<1x64xf32>
    %add3A = arith.constant 9.99999974E-6 : f32
    %add3A_9 = vector.broadcast %add3A : f32 to vector<1x64xf32>
    %add3A_10 = arith.addf %sub3A, %add3A_9 : vector<1x64xf32>
    %rsqrt3A = math.rsqrt %add3A_10 : vector<1x64xf32>
    %get3A_11 = arith.constant 0 : index
    %get3A_12 = arith.constant 0 : index
    %get3A_13 = vector.load %arg7[%get3A_11, %get3A_12] : memref<2x64xf32, #tpu.memory_space<vmem>>, vector<1x64xf32>
    %mul3A_14 = arith.mulf %rsqrt3A, %get3A_13 : vector<1x64xf32>
    %get3A_15 = arith.constant 1 : index
    %get3A_16 = arith.constant 0 : index
    %get3A_17 = vector.load %arg7[%get3A_15, %get3A_16] : memref<2x64xf32, #tpu.memory_space<vmem>>, vector<1x64xf32>
    %mul3A_18 = arith.mulf %mul3A_3, %mul3A_14 : vector<1x64xf32>
    %sub3A_19 = arith.subf %get3A_17, %mul3A_18 : vector<1x64xf32>
    %get3A_20 = arith.constant 0 : index
    %get3A_21 = arith.constant 0 : index
    %get3A_22 = vector.load %arg6[%get3A_20, %get3A_21] : memref<2x64xf32, #tpu.memory_space<vmem>>, vector<2x64xf32>
    %slice3A_23 = vector.extract_strided_slice %get3A_22 {offsets = [0, 0], sizes = [1, 64], strides = [1, 1]} : vector<2x64xf32> to vector<1x64xf32>
    %mul3A_24 = arith.constant 3.81469727E-6 : f32
    %mul3A_25 = vector.broadcast %mul3A_24 : f32 to vector<1x64xf32>
    %mul3A_26 = arith.mulf %slice3A_23, %mul3A_25 : vector<1x64xf32>
    %slice3A_27 = vector.extract_strided_slice %get3A_22 {offsets = [1, 0], sizes = [1, 64], strides = [1, 1]} : vector<2x64xf32> to vector<1x64xf32>
    %mul3A_28 = arith.constant 3.81469727E-6 : f32
    %mul3A_29 = vector.broadcast %mul3A_28 : f32 to vector<1x64xf32>
    %mul3A_30 = arith.mulf %slice3A_27, %mul3A_29 : vector<1x64xf32>
    %mul3A_31 = arith.mulf %mul3A_26, %mul3A_26 : vector<1x64xf32>
    %sub3A_32 = arith.subf %mul3A_30, %mul3A_31 : vector<1x64xf32>
    %add3A_33 = arith.constant 9.99999974E-6 : f32
    %add3A_34 = vector.broadcast %add3A_33 : f32 to vector<1x64xf32>
    %add3A_35 = arith.addf %sub3A_32, %add3A_34 : vector<1x64xf32>
    %rsqrt3A_36 = math.rsqrt %add3A_35 : vector<1x64xf32>
    %get3A_37 = arith.constant 0 : index
    %get3A_38 = arith.constant 0 : index
    %get3A_39 = vector.load %arg8[%get3A_37, %get3A_38] : memref<2x64xf32, #tpu.memory_space<vmem>>, vector<1x64xf32>
    %mul3A_40 = arith.mulf %rsqrt3A_36, %get3A_39 : vector<1x64xf32>
    %get3A_41 = arith.constant 1 : index
    %get3A_42 = arith.constant 0 : index
    %get3A_43 = vector.load %arg8[%get3A_41, %get3A_42] : memref<2x64xf32, #tpu.memory_space<vmem>>, vector<1x64xf32>
    %mul3A_44 = arith.mulf %mul3A_26, %mul3A_40 : vector<1x64xf32>
    %sub3A_45 = arith.subf %get3A_43, %mul3A_44 : vector<1x64xf32>
    %get3A_46 = arith.constant 0 : index
    %get3A_47 = arith.constant 0 : index
    %get3A_48 = vector.load %arg1[%get3A_46, %get3A_47] : memref<2048x64xf32, #tpu.memory_space<vmem>>, vector<2048x64xf32>
    %get3A_49 = arith.constant 0 : index
    %get3A_50 = arith.constant 0 : index
    %get3A_51 = vector.load %arg2[%get3A_49, %get3A_50] : memref<2048x64xf32, #tpu.memory_space<vmem>>, vector<2048x64xf32>
    %add3A_52 = arith.addf %get3A_48, %get3A_51 : vector<2048x64xf32>
    %mul3A_53 = vector.broadcast %mul3A_14 : vector<1x64xf32> to vector<2048x64xf32>
    %mul3A_54 = arith.mulf %add3A_52, %mul3A_53 : vector<2048x64xf32>
    %add3A_55 = vector.broadcast %sub3A_19 : vector<1x64xf32> to vector<2048x64xf32>
    %add3A_56 = arith.addf %mul3A_54, %add3A_55 : vector<2048x64xf32>
    %max3A = arith.constant 0.000000e+00 : f32
    %max3A_57 = vector.broadcast %max3A : f32 to vector<2048x64xf32>
    %max3A_58 = arith.maximumf %add3A_56, %max3A_57 : vector<2048x64xf32>
    %get3A_59 = arith.constant 0 : index
    %get3A_60 = arith.constant 0 : index
    %get3A_61 = vector.load %arg3[%get3A_59, %get3A_60] : memref<2048x64xf32, #tpu.memory_space<vmem>>, vector<2048x64xf32>
    %mul3A_62 = vector.broadcast %mul3A_40 : vector<1x64xf32> to vector<2048x64xf32>
    %mul3A_63 = arith.mulf %get3A_61, %mul3A_62 : vector<2048x64xf32>
    %add3A_64 = vector.broadcast %sub3A_45 : vector<1x64xf32> to vector<2048x64xf32>
    %add3A_65 = arith.addf %mul3A_63, %add3A_64 : vector<2048x64xf32>
    %max3A_66 = arith.constant 0.000000e+00 : f32
    %max3A_67 = vector.broadcast %max3A_66 : f32 to vector<2048x64xf32>
    %max3A_68 = arith.maximumf %add3A_65, %max3A_67 : vector<2048x64xf32>
    %get3A_69 = arith.constant 0 : index
    %get3A_70 = arith.constant 0 : index
    %get3A_71 = vector.load %arg9[%get3A_69, %get3A_70] : memref<64x64xf32, #tpu.memory_space<vmem>>, vector<64x64xf32>
    %dot_general3A = arith.constant dense<0.000000e+00> : vector<2048x64xf32>
    %dot_general3A_72 = tpu.matmul %max3A_68, %get3A_71, %dot_general3A {dimension_numbers = #tpu.dot_dimension_numbers<[1], [0], [0], [1], [0, 0, 1, 1], [], []>, precision = #tpu.contract_precision<fp32>, transpose_lhs_hint = false} : vector<2048x64xf32>, vector<64x64xf32>, vector<2048x64xf32> -> vector<2048x64xf32>
    %get3A_73 = arith.constant 0 : index
    %get3A_74 = arith.constant 0 : index
    %get3A_75 = vector.load %arg10[%get3A_73, %get3A_74] : memref<64x64xf32, #tpu.memory_space<vmem>>, vector<64x64xf32>
    %dot_general3A_76 = arith.constant dense<0.000000e+00> : vector<2048x64xf32>
    %dot_general3A_77 = tpu.matmul %max3A_58, %get3A_75, %dot_general3A_76 {dimension_numbers = #tpu.dot_dimension_numbers<[1], [0], [0], [1], [0, 0, 1, 1], [], []>, precision = #tpu.contract_precision<fp32>, transpose_lhs_hint = false} : vector<2048x64xf32>, vector<64x64xf32>, vector<2048x64xf32> -> vector<2048x64xf32>
    %add3A_78 = arith.addf %dot_general3A_72, %dot_general3A_77 : vector<2048x64xf32>
    %get3A_79 = arith.constant 0 : index
    %get3A_80 = arith.constant 0 : index
    %get3A_81 = vector.load %arg4[%get3A_79, %get3A_80] : memref<2048x64xf32, #tpu.memory_space<vmem>>, vector<2048x64xf32>
    %add3A_82 = arith.addf %add3A_78, %get3A_81 : vector<2048x64xf32>
    %swap3A = arith.constant 0 : index
    %swap3A_83 = arith.constant 0 : index
    %swap3A_84 = vector.load %arg11[%swap3A, %swap3A_83] : memref<2048x64xf32, #tpu.memory_space<vmem>>, vector<2048x64xf32>
    tpu.vector_store %arg11[%swap3A, %swap3A_83], %add3A_82 {strides = array<i32>} : memref<2048x64xf32, #tpu.memory_space<vmem>>, vector<2048x64xf32>,
    %eq3A = arith.constant 0 : i32
    %eq3A_85 = arith.cmpi eq, %arg0, %eq3A : i32
    %convert_element_type3A = arith.extui %eq3A_85 : i1 to i32
    %cond3A = arith.constant 0 : i32
    %cond3A_86 = arith.cmpi ne, %convert_element_type3A, %cond3A : i32
    scf.if %cond3A_86 {
      %broadcast_in_dim3A_111 = arith.constant 0.000000e+00 : f32
      %broadcast_in_dim3A_112 = vector.broadcast %broadcast_in_dim3A_111 : f32 to vector<2x64xf32>
      %swap3A_113 = arith.constant 0 : index
      %swap3A_114 = arith.constant 0 : index
      %swap3A_115 = vector.load %arg13[%swap3A_113, %swap3A_114] : memref<2x64xf32, #tpu.memory_space<vmem>>, vector<2x64xf32>
      tpu.vector_store %arg13[%swap3A_113, %swap3A_114], %broadcast_in_dim3A_112 {strides = array<i32>} : memref<2x64xf32, #tpu.memory_space<vmem>>, vector<2x64xf32>,
    } else {
    }
    %get3A_87 = arith.constant 0 : index
    %get3A_88 = arith.constant 0 : index
    %get3A_89 = vector.load %arg13[%get3A_87, %get3A_88] : memref<2x64xf32, #tpu.memory_space<vmem>>, vector<1x64xf32>
    %reduce_sum3A = arith.constant dense<0.000000e+00> : vector<64xf32>
    %reduce_sum3A_90 = vector.multi_reduction <add>, %add3A_82, %reduce_sum3A [0] : vector<2048x64xf32> to vector<64xf32>
    %broadcast_in_dim3A = vector.shape_cast %reduce_sum3A_90 : vector<64xf32> to vector<1x64xf32>
    %add3A_91 = arith.addf %get3A_89, %broadcast_in_dim3A : vector<1x64xf32>
    %swap3A_92 = arith.constant 0 : index
    %swap3A_93 = arith.constant 0 : index
    %swap3A_94 = vector.load %arg13[%swap3A_92, %swap3A_93] : memref<2x64xf32, #tpu.memory_space<vmem>>, vector<1x64xf32>
    tpu.vector_store %arg13[%swap3A_92, %swap3A_93], %add3A_91 {strides = array<i32>} : memref<2x64xf32, #tpu.memory_space<vmem>>, vector<1x64xf32>,
    %get3A_95 = arith.constant 1 : index
    %get3A_96 = arith.constant 0 : index
    %get3A_97 = vector.load %arg13[%get3A_95, %get3A_96] : memref<2x64xf32, #tpu.memory_space<vmem>>, vector<1x64xf32>
    %mul3A_98 = arith.mulf %add3A_82, %add3A_82 : vector<2048x64xf32>
    %reduce_sum3A_99 = arith.constant dense<0.000000e+00> : vector<64xf32>
    %reduce_sum3A_100 = vector.multi_reduction <add>, %mul3A_98, %reduce_sum3A_99 [0] : vector<2048x64xf32> to vector<64xf32>
    %broadcast_in_dim3A_101 = vector.shape_cast %reduce_sum3A_100 : vector<64xf32> to vector<1x64xf32>
    %add3A_102 = arith.addf %get3A_97, %broadcast_in_dim3A_101 : vector<1x64xf32>
    %swap3A_103 = arith.constant 1 : index
    %swap3A_104 = arith.constant 0 : index
    %swap3A_105 = vector.load %arg13[%swap3A_103, %swap3A_104] : memref<2x64xf32, #tpu.memory_space<vmem>>, vector<1x64xf32>
    tpu.vector_store %arg13[%swap3A_103, %swap3A_104], %add3A_102 {strides = array<i32>} : memref<2x64xf32, #tpu.memory_space<vmem>>, vector<1x64xf32>,
    %eq3A_106 = arith.constant 127 : i32
    %eq3A_107 = arith.cmpi eq, %arg0, %eq3A_106 : i32
    %convert_element_type3A_108 = arith.extui %eq3A_107 : i1 to i32
    %cond3A_109 = arith.constant 0 : i32
    %cond3A_110 = arith.cmpi ne, %convert_element_type3A_108, %cond3A_109 : i32
    scf.if %cond3A_110 {
      %get3A_111 = arith.constant 0 : index
      %get3A_112 = arith.constant 0 : index
      %get3A_113 = vector.load %arg13[%get3A_111, %get3A_112] : memref<2x64xf32, #tpu.memory_space<vmem>>, vector<2x64xf32>
      %swap3A_114 = arith.constant 0 : index
      %swap3A_115 = arith.constant 0 : index
      %swap3A_116 = vector.load %arg12[%swap3A_114, %swap3A_115] : memref<2x64xf32, #tpu.memory_space<vmem>>, vector<2x64xf32>
      tpu.vector_store %arg12[%swap3A_114, %swap3A_115], %get3A_113 {strides = array<i32>} : memref<2x64xf32, #tpu.memory_space<vmem>>, vector<2x64xf32>,
    } else {
    }
    return
  }
  func.func @transform_0(%arg0: i32) -> (i32, i32) {
    %c0_i32 = arith.constant 0 : i32
    %c0_i32_0 = arith.constant 0 : i32
    return %arg0, %c0_i32 : i32, i32
  }
  func.func @transform_1(%arg0: i32) -> (i32, i32) {
    %rem3A = arith.constant 8 : i32
    %rem3A_0 = arith.remsi %arg0, %rem3A : i32
    %c0_i32 = arith.constant 0 : i32
    %c0_i32_1 = arith.constant 0 : i32
    return %rem3A_0, %c0_i32 : i32, i32
  }
  func.func @transform_2(%arg0: i32) -> (i32, i32) {
    %c0_i32 = arith.constant 0 : i32
    %c0_i32_0 = arith.constant 0 : i32
    return %arg0, %c0_i32 : i32, i32
  }
  func.func @transform_3(%arg0: i32) -> (i32, i32) {
    %rem3A = arith.constant 8 : i32
    %rem3A_0 = arith.remsi %arg0, %rem3A : i32
    %c0_i32 = arith.constant 0 : i32
    %c0_i32_1 = arith.constant 0 : i32
    return %rem3A_0, %c0_i32 : i32, i32
  }
  func.func @transform_4(%arg0: i32) -> (i32, i32) {
    %c0_i32 = arith.constant 0 : i32
    %c0_i32_0 = arith.constant 0 : i32
    %c0_i32_1 = arith.constant 0 : i32
    return %c0_i32, %c0_i32_0 : i32, i32
  }
  func.func @transform_5(%arg0: i32) -> (i32, i32) {
    %c0_i32 = arith.constant 0 : i32
    %c0_i32_0 = arith.constant 0 : i32
    %c0_i32_1 = arith.constant 0 : i32
    return %c0_i32, %c0_i32_0 : i32, i32
  }
  func.func @transform_6(%arg0: i32) -> (i32, i32) {
    %c0_i32 = arith.constant 0 : i32
    %c0_i32_0 = arith.constant 0 : i32
    %c0_i32_1 = arith.constant 0 : i32
    return %c0_i32, %c0_i32_0 : i32, i32
  }
  func.func @transform_7(%arg0: i32) -> (i32, i32) {
    %c0_i32 = arith.constant 0 : i32
    %c0_i32_0 = arith.constant 0 : i32
    %c0_i32_1 = arith.constant 0 : i32
    return %c0_i32, %c0_i32_0 : i32, i32
  }
  func.func @transform_8(%arg0: i32) -> (i32, i32) {
    %c0_i32 = arith.constant 0 : i32
    %c0_i32_0 = arith.constant 0 : i32
    %c0_i32_1 = arith.constant 0 : i32
    return %c0_i32, %c0_i32_0 : i32, i32
  }
  func.func @transform_9(%arg0: i32) -> (i32, i32) {
    %c0_i32 = arith.constant 0 : i32
    %c0_i32_0 = arith.constant 0 : i32
    %c0_i32_1 = arith.constant 0 : i32
    return %c0_i32, %c0_i32_0 : i32, i32
  }
  func.func @transform_10(%arg0: i32) -> (i32, i32) {
    %c0_i32 = arith.constant 0 : i32
    %c0_i32_0 = arith.constant 0 : i32
    return %arg0, %c0_i32 : i32, i32
  }
  func.func @transform_11(%arg0: i32) -> (i32, i32) {
    %c0_i32 = arith.constant 0 : i32
    %c0_i32_0 = arith.constant 0 : i32
    %c0_i32_1 = arith.constant 0 : i32
    return %c0_i32, %c0_i32_0 : i32, i32
  }
}

module attributes {stable_mosaic.version = 14 : i64} {
  func.func @_l3_body(%arg0: i32, %arg1: i32, %arg2: memref<2048x64xf32, #tpu.memory_space<vmem>>, %arg3: memref<2048x64xf32, #tpu.memory_space<vmem>>, %arg4: memref<2048x64xf32, #tpu.memory_space<vmem>>, %arg5: memref<2048x64xf32, #tpu.memory_space<vmem>>, %arg6: memref<2048x64xf32, #tpu.memory_space<vmem>>, %arg7: memref<2x64xf32, #tpu.memory_space<vmem>>, %arg8: memref<2x64xf32, #tpu.memory_space<vmem>>, %arg9: memref<2x64xf32, #tpu.memory_space<vmem>>, %arg10: memref<2x64xf32, #tpu.memory_space<vmem>>, %arg11: memref<2x64xf32, #tpu.memory_space<vmem>>, %arg12: memref<2x64xf32, #tpu.memory_space<vmem>>, %arg13: memref<64x64xf32, #tpu.memory_space<vmem>>, %arg14: memref<64x64xf32, #tpu.memory_space<vmem>>, %arg15: memref<64x64xf32, #tpu.memory_space<vmem>>, %arg16: memref<2048x64xf32, #tpu.memory_space<vmem>>, %arg17: memref<2048x64xf32, #tpu.memory_space<vmem>>, %arg18: memref<2048x64xf32, #tpu.memory_space<vmem>>, %arg19: memref<2048x64xf32, #tpu.memory_space<vmem>>) attributes {dimension_semantics = [#tpu.dimension_semantics<arbitrary>, #tpu.dimension_semantics<arbitrary>], iteration_bounds = array<i64: 8, 16>, scalar_prefetch = 0 : i64, scratch_operands = 0 : i64, tpu.core_type = #tpu.core_type<tc>, window_params = [{transform_indices = @transform_0, window_bounds = array<i64: 2048, 64>}, {transform_indices = @transform_1, window_bounds = array<i64: 2048, 64>}, {transform_indices = @transform_2, window_bounds = array<i64: 2048, 64>}, {transform_indices = @transform_3, window_bounds = array<i64: 2048, 64>}, {transform_indices = @transform_4, window_bounds = array<i64: 2048, 64>}, {pipeline_mode = #tpu.pipeline_mode<synchronous>, transform_indices = @transform_5, window_bounds = array<i64: 2, 64>}, {pipeline_mode = #tpu.pipeline_mode<synchronous>, transform_indices = @transform_6, window_bounds = array<i64: 2, 64>}, {pipeline_mode = #tpu.pipeline_mode<synchronous>, transform_indices = @transform_7, window_bounds = array<i64: 2, 64>}, {pipeline_mode = #tpu.pipeline_mode<synchronous>, transform_indices = @transform_8, window_bounds = array<i64: 2, 64>}, {pipeline_mode = #tpu.pipeline_mode<synchronous>, transform_indices = @transform_9, window_bounds = array<i64: 2, 64>}, {pipeline_mode = #tpu.pipeline_mode<synchronous>, transform_indices = @transform_10, window_bounds = array<i64: 2, 64>}, {pipeline_mode = #tpu.pipeline_mode<synchronous>, transform_indices = @transform_11, window_bounds = array<i64: 64, 64>}, {pipeline_mode = #tpu.pipeline_mode<synchronous>, transform_indices = @transform_12, window_bounds = array<i64: 64, 64>}, {pipeline_mode = #tpu.pipeline_mode<synchronous>, transform_indices = @transform_13, window_bounds = array<i64: 64, 64>}, {transform_indices = @transform_14, window_bounds = array<i64: 2048, 64>}, {transform_indices = @transform_15, window_bounds = array<i64: 2048, 64>}, {transform_indices = @transform_16, window_bounds = array<i64: 2048, 64>}, {transform_indices = @transform_17, window_bounds = array<i64: 2048, 64>}]} {
    %get3A = arith.constant 0 : index
    %get3A_0 = arith.constant 0 : index
    %get3A_1 = vector.load %arg7[%get3A, %get3A_0] : memref<2x64xf32, #tpu.memory_space<vmem>>, vector<2x64xf32>
    %slice3A = vector.extract_strided_slice %get3A_1 {offsets = [0, 0], sizes = [1, 64], strides = [1, 1]} : vector<2x64xf32> to vector<1x64xf32>
    %mul3A = arith.constant 3.81469727E-6 : f32
    %mul3A_2 = vector.broadcast %mul3A : f32 to vector<1x64xf32>
    %mul3A_3 = arith.mulf %slice3A, %mul3A_2 : vector<1x64xf32>
    %slice3A_4 = vector.extract_strided_slice %get3A_1 {offsets = [1, 0], sizes = [1, 64], strides = [1, 1]} : vector<2x64xf32> to vector<1x64xf32>
    %mul3A_5 = arith.constant 3.81469727E-6 : f32
    %mul3A_6 = vector.broadcast %mul3A_5 : f32 to vector<1x64xf32>
    %mul3A_7 = arith.mulf %slice3A_4, %mul3A_6 : vector<1x64xf32>
    %mul3A_8 = arith.mulf %mul3A_3, %mul3A_3 : vector<1x64xf32>
    %sub3A = arith.subf %mul3A_7, %mul3A_8 : vector<1x64xf32>
    %add3A = arith.constant 9.99999974E-6 : f32
    %add3A_9 = vector.broadcast %add3A : f32 to vector<1x64xf32>
    %add3A_10 = arith.addf %sub3A, %add3A_9 : vector<1x64xf32>
    %rsqrt3A = math.rsqrt %add3A_10 : vector<1x64xf32>
    %get3A_11 = arith.constant 0 : index
    %get3A_12 = arith.constant 0 : index
    %get3A_13 = vector.load %arg10[%get3A_11, %get3A_12] : memref<2x64xf32, #tpu.memory_space<vmem>>, vector<1x64xf32>
    %mul3A_14 = arith.mulf %rsqrt3A, %get3A_13 : vector<1x64xf32>
    %get3A_15 = arith.constant 1 : index
    %get3A_16 = arith.constant 0 : index
    %get3A_17 = vector.load %arg10[%get3A_15, %get3A_16] : memref<2x64xf32, #tpu.memory_space<vmem>>, vector<1x64xf32>
    %mul3A_18 = arith.mulf %mul3A_3, %mul3A_14 : vector<1x64xf32>
    %sub3A_19 = arith.subf %get3A_17, %mul3A_18 : vector<1x64xf32>
    %get3A_20 = arith.constant 0 : index
    %get3A_21 = arith.constant 0 : index
    %get3A_22 = vector.load %arg8[%get3A_20, %get3A_21] : memref<2x64xf32, #tpu.memory_space<vmem>>, vector<2x64xf32>
    %slice3A_23 = vector.extract_strided_slice %get3A_22 {offsets = [0, 0], sizes = [1, 64], strides = [1, 1]} : vector<2x64xf32> to vector<1x64xf32>
    %mul3A_24 = arith.constant 3.81469727E-6 : f32
    %mul3A_25 = vector.broadcast %mul3A_24 : f32 to vector<1x64xf32>
    %mul3A_26 = arith.mulf %slice3A_23, %mul3A_25 : vector<1x64xf32>
    %slice3A_27 = vector.extract_strided_slice %get3A_22 {offsets = [1, 0], sizes = [1, 64], strides = [1, 1]} : vector<2x64xf32> to vector<1x64xf32>
    %mul3A_28 = arith.constant 3.81469727E-6 : f32
    %mul3A_29 = vector.broadcast %mul3A_28 : f32 to vector<1x64xf32>
    %mul3A_30 = arith.mulf %slice3A_27, %mul3A_29 : vector<1x64xf32>
    %mul3A_31 = arith.mulf %mul3A_26, %mul3A_26 : vector<1x64xf32>
    %sub3A_32 = arith.subf %mul3A_30, %mul3A_31 : vector<1x64xf32>
    %add3A_33 = arith.constant 9.99999974E-6 : f32
    %add3A_34 = vector.broadcast %add3A_33 : f32 to vector<1x64xf32>
    %add3A_35 = arith.addf %sub3A_32, %add3A_34 : vector<1x64xf32>
    %rsqrt3A_36 = math.rsqrt %add3A_35 : vector<1x64xf32>
    %get3A_37 = arith.constant 0 : index
    %get3A_38 = arith.constant 0 : index
    %get3A_39 = vector.load %arg11[%get3A_37, %get3A_38] : memref<2x64xf32, #tpu.memory_space<vmem>>, vector<1x64xf32>
    %mul3A_40 = arith.mulf %rsqrt3A_36, %get3A_39 : vector<1x64xf32>
    %get3A_41 = arith.constant 1 : index
    %get3A_42 = arith.constant 0 : index
    %get3A_43 = vector.load %arg11[%get3A_41, %get3A_42] : memref<2x64xf32, #tpu.memory_space<vmem>>, vector<1x64xf32>
    %mul3A_44 = arith.mulf %mul3A_26, %mul3A_40 : vector<1x64xf32>
    %sub3A_45 = arith.subf %get3A_43, %mul3A_44 : vector<1x64xf32>
    %get3A_46 = arith.constant 0 : index
    %get3A_47 = arith.constant 0 : index
    %get3A_48 = vector.load %arg9[%get3A_46, %get3A_47] : memref<2x64xf32, #tpu.memory_space<vmem>>, vector<2x64xf32>
    %slice3A_49 = vector.extract_strided_slice %get3A_48 {offsets = [0, 0], sizes = [1, 64], strides = [1, 1]} : vector<2x64xf32> to vector<1x64xf32>
    %mul3A_50 = arith.constant 3.81469727E-6 : f32
    %mul3A_51 = vector.broadcast %mul3A_50 : f32 to vector<1x64xf32>
    %mul3A_52 = arith.mulf %slice3A_49, %mul3A_51 : vector<1x64xf32>
    %slice3A_53 = vector.extract_strided_slice %get3A_48 {offsets = [1, 0], sizes = [1, 64], strides = [1, 1]} : vector<2x64xf32> to vector<1x64xf32>
    %mul3A_54 = arith.constant 3.81469727E-6 : f32
    %mul3A_55 = vector.broadcast %mul3A_54 : f32 to vector<1x64xf32>
    %mul3A_56 = arith.mulf %slice3A_53, %mul3A_55 : vector<1x64xf32>
    %mul3A_57 = arith.mulf %mul3A_52, %mul3A_52 : vector<1x64xf32>
    %sub3A_58 = arith.subf %mul3A_56, %mul3A_57 : vector<1x64xf32>
    %add3A_59 = arith.constant 9.99999974E-6 : f32
    %add3A_60 = vector.broadcast %add3A_59 : f32 to vector<1x64xf32>
    %add3A_61 = arith.addf %sub3A_58, %add3A_60 : vector<1x64xf32>
    %rsqrt3A_62 = math.rsqrt %add3A_61 : vector<1x64xf32>
    %get3A_63 = arith.constant 0 : index
    %get3A_64 = arith.constant 0 : index
    %get3A_65 = vector.load %arg12[%get3A_63, %get3A_64] : memref<2x64xf32, #tpu.memory_space<vmem>>, vector<1x64xf32>
    %mul3A_66 = arith.mulf %rsqrt3A_62, %get3A_65 : vector<1x64xf32>
    %get3A_67 = arith.constant 1 : index
    %get3A_68 = arith.constant 0 : index
    %get3A_69 = vector.load %arg12[%get3A_67, %get3A_68] : memref<2x64xf32, #tpu.memory_space<vmem>>, vector<1x64xf32>
    %mul3A_70 = arith.mulf %mul3A_52, %mul3A_66 : vector<1x64xf32>
    %sub3A_71 = arith.subf %get3A_69, %mul3A_70 : vector<1x64xf32>
    %get3A_72 = arith.constant 0 : index
    %get3A_73 = arith.constant 0 : index
    %get3A_74 = vector.load %arg2[%get3A_72, %get3A_73] : memref<2048x64xf32, #tpu.memory_space<vmem>>, vector<2048x64xf32>
    %get3A_75 = arith.constant 0 : index
    %get3A_76 = arith.constant 0 : index
    %get3A_77 = vector.load %arg3[%get3A_75, %get3A_76] : memref<2048x64xf32, #tpu.memory_space<vmem>>, vector<2048x64xf32>
    %add3A_78 = arith.addf %get3A_74, %get3A_77 : vector<2048x64xf32>
    %mul3A_79 = vector.broadcast %mul3A_14 : vector<1x64xf32> to vector<2048x64xf32>
    %mul3A_80 = arith.mulf %add3A_78, %mul3A_79 : vector<2048x64xf32>
    %add3A_81 = vector.broadcast %sub3A_19 : vector<1x64xf32> to vector<2048x64xf32>
    %add3A_82 = arith.addf %mul3A_80, %add3A_81 : vector<2048x64xf32>
    %max3A = arith.constant 0.000000e+00 : f32
    %max3A_83 = vector.broadcast %max3A : f32 to vector<2048x64xf32>
    %max3A_84 = arith.maximumf %add3A_82, %max3A_83 : vector<2048x64xf32>
    %get3A_85 = arith.constant 0 : index
    %get3A_86 = arith.constant 0 : index
    %get3A_87 = vector.load %arg4[%get3A_85, %get3A_86] : memref<2048x64xf32, #tpu.memory_space<vmem>>, vector<2048x64xf32>
    %mul3A_88 = vector.broadcast %mul3A_40 : vector<1x64xf32> to vector<2048x64xf32>
    %mul3A_89 = arith.mulf %get3A_87, %mul3A_88 : vector<2048x64xf32>
    %add3A_90 = vector.broadcast %sub3A_45 : vector<1x64xf32> to vector<2048x64xf32>
    %add3A_91 = arith.addf %mul3A_89, %add3A_90 : vector<2048x64xf32>
    %max3A_92 = arith.constant 0.000000e+00 : f32
    %max3A_93 = vector.broadcast %max3A_92 : f32 to vector<2048x64xf32>
    %max3A_94 = arith.maximumf %add3A_91, %max3A_93 : vector<2048x64xf32>
    %get3A_95 = arith.constant 0 : index
    %get3A_96 = arith.constant 0 : index
    %get3A_97 = vector.load %arg5[%get3A_95, %get3A_96] : memref<2048x64xf32, #tpu.memory_space<vmem>>, vector<2048x64xf32>
    %mul3A_98 = vector.broadcast %mul3A_66 : vector<1x64xf32> to vector<2048x64xf32>
    %mul3A_99 = arith.mulf %get3A_97, %mul3A_98 : vector<2048x64xf32>
    %add3A_100 = vector.broadcast %sub3A_71 : vector<1x64xf32> to vector<2048x64xf32>
    %add3A_101 = arith.addf %mul3A_99, %add3A_100 : vector<2048x64xf32>
    %max3A_102 = arith.constant 0.000000e+00 : f32
    %max3A_103 = vector.broadcast %max3A_102 : f32 to vector<2048x64xf32>
    %max3A_104 = arith.maximumf %add3A_101, %max3A_103 : vector<2048x64xf32>
    %get3A_105 = arith.constant 0 : index
    %get3A_106 = arith.constant 0 : index
    %get3A_107 = vector.load %arg13[%get3A_105, %get3A_106] : memref<64x64xf32, #tpu.memory_space<vmem>>, vector<64x64xf32>
    %dot_general3A = arith.constant dense<0.000000e+00> : vector<2048x64xf32>
    %dot_general3A_108 = tpu.matmul %max3A_104, %get3A_107, %dot_general3A {dimension_numbers = #tpu.dot_dimension_numbers<[1], [0], [0], [1], [0, 0, 1, 1], [], []>, precision = #tpu.contract_precision<fp32>, transpose_lhs_hint = false} : vector<2048x64xf32>, vector<64x64xf32>, vector<2048x64xf32> -> vector<2048x64xf32>
    %get3A_109 = arith.constant 0 : index
    %get3A_110 = arith.constant 0 : index
    %get3A_111 = vector.load %arg14[%get3A_109, %get3A_110] : memref<64x64xf32, #tpu.memory_space<vmem>>, vector<64x64xf32>
    %dot_general3A_112 = arith.constant dense<0.000000e+00> : vector<2048x64xf32>
    %dot_general3A_113 = tpu.matmul %max3A_94, %get3A_111, %dot_general3A_112 {dimension_numbers = #tpu.dot_dimension_numbers<[1], [0], [0], [1], [0, 0, 1, 1], [], []>, precision = #tpu.contract_precision<fp32>, transpose_lhs_hint = false} : vector<2048x64xf32>, vector<64x64xf32>, vector<2048x64xf32> -> vector<2048x64xf32>
    %add3A_114 = arith.addf %dot_general3A_108, %dot_general3A_113 : vector<2048x64xf32>
    %get3A_115 = arith.constant 0 : index
    %get3A_116 = arith.constant 0 : index
    %get3A_117 = vector.load %arg15[%get3A_115, %get3A_116] : memref<64x64xf32, #tpu.memory_space<vmem>>, vector<64x64xf32>
    %dot_general3A_118 = arith.constant dense<0.000000e+00> : vector<2048x64xf32>
    %dot_general3A_119 = tpu.matmul %max3A_84, %get3A_117, %dot_general3A_118 {dimension_numbers = #tpu.dot_dimension_numbers<[1], [0], [0], [1], [0, 0, 1, 1], [], []>, precision = #tpu.contract_precision<fp32>, transpose_lhs_hint = false} : vector<2048x64xf32>, vector<64x64xf32>, vector<2048x64xf32> -> vector<2048x64xf32>
    %add3A_120 = arith.addf %add3A_114, %dot_general3A_119 : vector<2048x64xf32>
    %get3A_121 = arith.constant 0 : index
    %get3A_122 = arith.constant 0 : index
    %get3A_123 = vector.load %arg6[%get3A_121, %get3A_122] : memref<2048x64xf32, #tpu.memory_space<vmem>>, vector<2048x64xf32>
    %add3A_124 = arith.addf %add3A_120, %get3A_123 : vector<2048x64xf32>
    %eq3A = arith.constant 0 : i32
    %eq3A_125 = arith.cmpi eq, %arg1, %eq3A : i32
    %convert_element_type3A = arith.extui %eq3A_125 : i1 to i32
    %cond3A = arith.constant 0 : i32
    %cond3A_126 = arith.cmpi ne, %convert_element_type3A, %cond3A : i32
    scf.if %cond3A_126 {
      %swap3A = arith.constant 0 : index
      %swap3A_131 = arith.constant 0 : index
      %swap3A_132 = vector.load %arg16[%swap3A, %swap3A_131] : memref<2048x64xf32, #tpu.memory_space<vmem>>, vector<2048x64xf32>
      tpu.vector_store %arg16[%swap3A, %swap3A_131], %add3A_124 {strides = array<i32>} : memref<2048x64xf32, #tpu.memory_space<vmem>>, vector<2048x64xf32>,
      %swap3A_133 = arith.constant 0 : index
      %swap3A_134 = arith.constant 0 : index
      %swap3A_135 = vector.load %arg17[%swap3A_133, %swap3A_134] : memref<2048x64xf32, #tpu.memory_space<vmem>>, vector<2048x64xf32>
      tpu.vector_store %arg17[%swap3A_133, %swap3A_134], %max3A_104 {strides = array<i32>} : memref<2048x64xf32, #tpu.memory_space<vmem>>, vector<2048x64xf32>,
      %swap3A_136 = arith.constant 0 : index
      %swap3A_137 = arith.constant 0 : index
      %swap3A_138 = vector.load %arg18[%swap3A_136, %swap3A_137] : memref<2048x64xf32, #tpu.memory_space<vmem>>, vector<2048x64xf32>
      tpu.vector_store %arg18[%swap3A_136, %swap3A_137], %max3A_94 {strides = array<i32>} : memref<2048x64xf32, #tpu.memory_space<vmem>>, vector<2048x64xf32>,
      %swap3A_139 = arith.constant 0 : index
      %swap3A_140 = arith.constant 0 : index
      %swap3A_141 = vector.load %arg19[%swap3A_139, %swap3A_140] : memref<2048x64xf32, #tpu.memory_space<vmem>>, vector<2048x64xf32>
      tpu.vector_store %arg19[%swap3A_139, %swap3A_140], %max3A_84 {strides = array<i32>} : memref<2048x64xf32, #tpu.memory_space<vmem>>, vector<2048x64xf32>,
    } else {
    }
    %gt3A = arith.constant 0 : i32
    %gt3A_127 = arith.cmpi sgt, %arg1, %gt3A : i32
    %convert_element_type3A_128 = arith.extui %gt3A_127 : i1 to i32
    %cond3A_129 = arith.constant 0 : i32
    %cond3A_130 = arith.cmpi ne, %convert_element_type3A_128, %cond3A_129 : i32
    scf.if %cond3A_130 {
      %get3A_131 = arith.constant 0 : index
      %get3A_132 = arith.constant 0 : index
      %get3A_133 = vector.load %arg16[%get3A_131, %get3A_132] : memref<2048x64xf32, #tpu.memory_space<vmem>>, vector<2048x64xf32>
      %max3A_134 = arith.maximumf %get3A_133, %add3A_124 : vector<2048x64xf32>
      %swap3A = arith.constant 0 : index
      %swap3A_135 = arith.constant 0 : index
      %swap3A_136 = vector.load %arg16[%swap3A, %swap3A_135] : memref<2048x64xf32, #tpu.memory_space<vmem>>, vector<2048x64xf32>
      tpu.vector_store %arg16[%swap3A, %swap3A_135], %max3A_134 {strides = array<i32>} : memref<2048x64xf32, #tpu.memory_space<vmem>>, vector<2048x64xf32>,
      %get3A_137 = arith.constant 0 : index
      %get3A_138 = arith.constant 0 : index
      %get3A_139 = vector.load %arg17[%get3A_137, %get3A_138] : memref<2048x64xf32, #tpu.memory_space<vmem>>, vector<2048x64xf32>
      %max3A_140 = arith.maximumf %get3A_139, %max3A_104 : vector<2048x64xf32>
      %swap3A_141 = arith.constant 0 : index
      %swap3A_142 = arith.constant 0 : index
      %swap3A_143 = vector.load %arg17[%swap3A_141, %swap3A_142] : memref<2048x64xf32, #tpu.memory_space<vmem>>, vector<2048x64xf32>
      tpu.vector_store %arg17[%swap3A_141, %swap3A_142], %max3A_140 {strides = array<i32>} : memref<2048x64xf32, #tpu.memory_space<vmem>>, vector<2048x64xf32>,
      %get3A_144 = arith.constant 0 : index
      %get3A_145 = arith.constant 0 : index
      %get3A_146 = vector.load %arg18[%get3A_144, %get3A_145] : memref<2048x64xf32, #tpu.memory_space<vmem>>, vector<2048x64xf32>
      %max3A_147 = arith.maximumf %get3A_146, %max3A_94 : vector<2048x64xf32>
      %swap3A_148 = arith.constant 0 : index
      %swap3A_149 = arith.constant 0 : index
      %swap3A_150 = vector.load %arg18[%swap3A_148, %swap3A_149] : memref<2048x64xf32, #tpu.memory_space<vmem>>, vector<2048x64xf32>
      tpu.vector_store %arg18[%swap3A_148, %swap3A_149], %max3A_147 {strides = array<i32>} : memref<2048x64xf32, #tpu.memory_space<vmem>>, vector<2048x64xf32>,
      %get3A_151 = arith.constant 0 : index
      %get3A_152 = arith.constant 0 : index
      %get3A_153 = vector.load %arg19[%get3A_151, %get3A_152] : memref<2048x64xf32, #tpu.memory_space<vmem>>, vector<2048x64xf32>
      %max3A_154 = arith.maximumf %get3A_153, %max3A_84 : vector<2048x64xf32>
      %swap3A_155 = arith.constant 0 : index
      %swap3A_156 = arith.constant 0 : index
      %swap3A_157 = vector.load %arg19[%swap3A_155, %swap3A_156] : memref<2048x64xf32, #tpu.memory_space<vmem>>, vector<2048x64xf32>
      tpu.vector_store %arg19[%swap3A_155, %swap3A_156], %max3A_154 {strides = array<i32>} : memref<2048x64xf32, #tpu.memory_space<vmem>>, vector<2048x64xf32>,
    } else {
    }
    return
  }
  func.func @transform_0(%arg0: i32, %arg1: i32) -> (i32, i32) {
    %mul3A = arith.constant 8 : i32
    %mul3A_0 = arith.muli %arg1, %mul3A : i32
    %add3A = arith.addi %mul3A_0, %arg0 : i32
    %c0_i32 = arith.constant 0 : i32
    %c0_i32_1 = arith.constant 0 : i32
    return %add3A, %c0_i32 : i32, i32
  }
  func.func @transform_1(%arg0: i32, %arg1: i32) -> (i32, i32) {
    %c0_i32 = arith.constant 0 : i32
    %c0_i32_0 = arith.constant 0 : i32
    return %arg0, %c0_i32 : i32, i32
  }
  func.func @transform_2(%arg0: i32, %arg1: i32) -> (i32, i32) {
    %mul3A = arith.constant 8 : i32
    %mul3A_0 = arith.muli %arg1, %mul3A : i32
    %add3A = arith.addi %mul3A_0, %arg0 : i32
    %c0_i32 = arith.constant 0 : i32
    %c0_i32_1 = arith.constant 0 : i32
    return %add3A, %c0_i32 : i32, i32
  }
  func.func @transform_3(%arg0: i32, %arg1: i32) -> (i32, i32) {
    %mul3A = arith.constant 8 : i32
    %mul3A_0 = arith.muli %arg1, %mul3A : i32
    %add3A = arith.addi %mul3A_0, %arg0 : i32
    %c0_i32 = arith.constant 0 : i32
    %c0_i32_1 = arith.constant 0 : i32
    return %add3A, %c0_i32 : i32, i32
  }
  func.func @transform_4(%arg0: i32, %arg1: i32) -> (i32, i32) {
    %c0_i32 = arith.constant 0 : i32
    %c0_i32_0 = arith.constant 0 : i32
    return %arg0, %c0_i32 : i32, i32
  }
  func.func @transform_5(%arg0: i32, %arg1: i32) -> (i32, i32) {
    %c0_i32 = arith.constant 0 : i32
    %c0_i32_0 = arith.constant 0 : i32
    %c0_i32_1 = arith.constant 0 : i32
    return %c0_i32, %c0_i32_0 : i32, i32
  }
  func.func @transform_6(%arg0: i32, %arg1: i32) -> (i32, i32) {
    %c0_i32 = arith.constant 0 : i32
    %c0_i32_0 = arith.constant 0 : i32
    %c0_i32_1 = arith.constant 0 : i32
    return %c0_i32, %c0_i32_0 : i32, i32
  }
  func.func @transform_7(%arg0: i32, %arg1: i32) -> (i32, i32) {
    %c0_i32 = arith.constant 0 : i32
    %c0_i32_0 = arith.constant 0 : i32
    %c0_i32_1 = arith.constant 0 : i32
    return %c0_i32, %c0_i32_0 : i32, i32
  }
  func.func @transform_8(%arg0: i32, %arg1: i32) -> (i32, i32) {
    %c0_i32 = arith.constant 0 : i32
    %c0_i32_0 = arith.constant 0 : i32
    %c0_i32_1 = arith.constant 0 : i32
    return %c0_i32, %c0_i32_0 : i32, i32
  }
  func.func @transform_9(%arg0: i32, %arg1: i32) -> (i32, i32) {
    %c0_i32 = arith.constant 0 : i32
    %c0_i32_0 = arith.constant 0 : i32
    %c0_i32_1 = arith.constant 0 : i32
    return %c0_i32, %c0_i32_0 : i32, i32
  }
  func.func @transform_10(%arg0: i32, %arg1: i32) -> (i32, i32) {
    %c0_i32 = arith.constant 0 : i32
    %c0_i32_0 = arith.constant 0 : i32
    %c0_i32_1 = arith.constant 0 : i32
    return %c0_i32, %c0_i32_0 : i32, i32
  }
  func.func @transform_11(%arg0: i32, %arg1: i32) -> (i32, i32) {
    %c0_i32 = arith.constant 0 : i32
    %c0_i32_0 = arith.constant 0 : i32
    %c0_i32_1 = arith.constant 0 : i32
    return %c0_i32, %c0_i32_0 : i32, i32
  }
  func.func @transform_12(%arg0: i32, %arg1: i32) -> (i32, i32) {
    %c0_i32 = arith.constant 0 : i32
    %c0_i32_0 = arith.constant 0 : i32
    %c0_i32_1 = arith.constant 0 : i32
    return %c0_i32, %c0_i32_0 : i32, i32
  }
  func.func @transform_13(%arg0: i32, %arg1: i32) -> (i32, i32) {
    %c0_i32 = arith.constant 0 : i32
    %c0_i32_0 = arith.constant 0 : i32
    %c0_i32_1 = arith.constant 0 : i32
    return %c0_i32, %c0_i32_0 : i32, i32
  }
  func.func @transform_14(%arg0: i32, %arg1: i32) -> (i32, i32) {
    %c0_i32 = arith.constant 0 : i32
    %c0_i32_0 = arith.constant 0 : i32
    return %arg0, %c0_i32 : i32, i32
  }
  func.func @transform_15(%arg0: i32, %arg1: i32) -> (i32, i32) {
    %c0_i32 = arith.constant 0 : i32
    %c0_i32_0 = arith.constant 0 : i32
    return %arg0, %c0_i32 : i32, i32
  }
  func.func @transform_16(%arg0: i32, %arg1: i32) -> (i32, i32) {
    %c0_i32 = arith.constant 0 : i32
    %c0_i32_0 = arith.constant 0 : i32
    return %arg0, %c0_i32 : i32, i32
  }
  func.func @transform_17(%arg0: i32, %arg1: i32) -> (i32, i32) {
    %c0_i32 = arith.constant 0 : i32
    %c0_i32_0 = arith.constant 0 : i32
    return %arg0, %c0_i32 : i32, i32
  }
}

</mosaic_0001>

<sc_bundles>
// kernel: kernel.8.cloned.1.call-start
scs
__scs_entry_jumppad:
0x0: {  	(pc) =	sbr.rel $0x88, $3  }
0x1: {  	(tag) =	ssettag $0x0;
	lr =	simm.s32 $0x1  }
0x2: {  	[smem:$0x3F91] =	sst lr;
	_ =	strace $0xD0000000  }
0x3: {  	_ = 	snop  }
0x4: {  	_ = 	snop  }
0x5: {  	_ = 	snop  }
0x6: {  	_ = 	snop  }
0x7: {  	_ = 	snop  }
__scs_overlays_trampoline_lowered:
0x8: {  	[smem:$0x3FA0] =	sst s0  }
0x9: {  	[smem:$0x3FA1] =	sst s1  }
0xa: {  	[smem:$0x3FA2] =	sst s2  }
0xb: {  	[smem:$0x3FA3] =	sst s3  }
0xc: {  	[smem:$0x3FA4] =	sst s4  }
0xd: {  	[smem:$0x3FA5] =	sst s5  }
0xe: {  	[smem:$0x3FA6] =	sst s6  }
0xf: {  	[smem:$0x3FA7] =	sst s7  }
0x10: {  	[smem:$0x3FA8] =	sst s8  }
0x11: {  	[smem:$0x3FA9] =	sst s9;
	s0 =	simm.s32 @!p0 $0x0  }
0x12: {  	s1 =	sld [smem:$0x3F8F];
	s0 =	simm.s32 @p0 $0x1  }
0x13: {  	[smem:$0x3FAA] =	sst s0;
	s0 =	simm.s32 @!p1 $0x0  }
0x14: {  	s2 =	sld [smem:$0x3F8E];
	s0 =	simm.s32 @p1 $0x1  }
0x15: {  	[smem:$0x3FAB] =	sst s0;
	s0 =	simm.s32 @!p2 $0x0  }
0x16: {  	s3 =	sld [smem:$0x3FDB];
	s0 =	simm.s32 @p2 $0x1  }
0x17: {  	s4 =	simm.s32 $0x1BF5;
	[smem:$0x3FAD] =	sst s0  }
0x18: {  	s0 =	sld [smem:$0x3F90];
	_ =	swait.ge [sflag:s4], $0x0  }
0x19: {  	s7 =	sld [smem:$0x3F91]  }
0x1a: {  	s8 =	sadd.s32 $0xFFFFE003, lr  }
0x1b: {  	s9 =	sadd.s32 $0xFFFFFEF7, lr;
	s5 =	simm.s32 $0xFFFFFFFF;
	p2 =	slt.u32 s8, $0xFFFFF086  }
0x1c: {  	p1 =	slt.u32 s9, $0xF7A;
	s5 =	simm.s32 @!p2 $0x0  }
0x1d: {  	s5 =	simm.s32 @p1 $0x1;
	p0 =	seq.s32 s7, s2  }
0x1e: {  	s7 =	smul.u32 @!p0 $0xF7A, s2;
	p2 =	seq.s32 @!p0 s5, $0x0  }
0x1f: {  	s9 =	smul.u32 $0xF7A, s1;
	s8 =	simm.s32 @!p0 $0x1BF5;
	p2 =	por !p2, p0  }
0x20: {  	[sflag:s8] =	ssyncset.s32 @!p0 $0xFFFFF086;
	s6 =	sadd.s32 @!p0 s3, s7;
	s7 =	simm.s32 @!p0 $0x108  }
0x21: {  	s3 =	sadd.s32 s3, s9;
	s6 =	sadd.s32 @!p0 $0x88, s6;
	s7 =	simm.s32 @p2 $0x1082  }
0x22: {  	[simem:s7], [sflag:s8] =	dma.local @!p0 [hbm:s6], $0xF7A  }
0x23: {  	s9 =	sor.u32 $0xD0000000, s2;
	s6 =	simm.s32 $0x108;
	_ =	swait.ge @!p0 [sflag:s8], $0x0  }
0x24: {  	s3 =	sadd.s32 $0x88, s3;
	s6 =	simm.s32 @!p1 $0x1082;
	[sflag:s4] =	ssyncset.s32 $0xFFFFF086  }
0x25: {  	[simem:s6], [sflag:s4] =	dma.local [hbm:s3], $0xF7A  }
0x26: {  	[smem:$0x3F91] =	sst s1;
	(tag) =	ssettag s2;
	_ =	strace s9  }
0x27: {  	s1 =	sld [smem:$0x3FA1]  }
0x28: {  	s2 =	sld [smem:$0x3FA2]  }
0x29: {  	s4 =	sld [smem:$0x3FA4]  }
0x2a: {  	p0 =	seq.s32 s5, $0x0;
	s5 =	sld [smem:$0x3FA5]  }
0x2b: {  	s6 =	sld [smem:$0x3FA6]  }
0x2c: {  	s7 =	sld [smem:$0x3FA7]  }
0x2d: {  	s3 =	simm.s32 $0x108;
	s8 =	sld [smem:$0x3FA8]  }
0x2e: {  	s3 =	simm.s32 @!p0 $0x1082;
	s9 =	sld [smem:$0x3FA9]  }
0x2f: {  	lr =	sadd.s32 s0, s3;
	s0 =	sld [smem:$0x3FA0]  }
0x30: {  	s3 =	sld [smem:$0x3FA3]  }
0x31: {  	[smem:$0x3FAC] =	sst s10  }
0x32: {  	s10 =	sld [smem:$0x3FAA];
	_ =	sdelay $0x3  }
0x33: {  	p0 =	seq.s32 s10, $0x1;
	s10 =	sld [smem:$0x3FAC];
	_ =	sdelay $0x3  }
0x34: {  	[smem:$0x3FAC] =	sst s10  }
0x35: {  	s10 =	sld [smem:$0x3FAB];
	_ =	sdelay $0x3  }
0x36: {  	p1 =	seq.s32 s10, $0x1;
	s10 =	sld [smem:$0x3FAC];
	_ =	sdelay $0x3  }
0x37: {  	[smem:$0x3FAC] =	sst s10  }
0x38: {  	s10 =	sld [smem:$0x3FAD]  }
0x39: {  	_ = 	snop;
	(pc) =	sbr.ind lr, $3  }
0x3a: {  	_ = 	snop  }
0x3b: {  	_ = 	snop  }
0x3c: {  	p2 =	seq.s32 s10, $0x1;
	s10 =	sld [smem:$0x3FAC]  }
0x3d: {  	_ =	shalt  }
0x3e: {  	_ =	shalt  }
0x3f: {  	_ =	shalt  }
0x40: {  	_ =	shalt  }
0x41: {  	_ =	shalt  }
0x42: {  	_ =	shalt  }
0x43: {  	_ =	shalt  }
0x44: {  	_ =	shalt  }
0x45: {  	_ =	shalt  }
0x46: {  	_ =	shalt  }
0x47: {  	_ =	shalt  }
0x48: {  	_ =	shalt  }
0x49: {  	_ =	shalt  }
0x4a: {  	_ =	shalt  }
0x4b: {  	_ =	shalt  }
0x4c: {  	_ =	shalt  }
0x4d: {  	_ =	shalt  }
0x4e: {  	_ =	shalt  }
0x4f: {  	_ =	shalt  }
0x50: {  	_ =	shalt  }
0x51: {  	_ =	shalt  }
0x52: {  	_ =	shalt  }
0x53: {  	_ =	shalt  }
0x54: {  	_ =	shalt  }
0x55: {  	_ =	shalt  }
0x56: {  	_ =	shalt  }
0x57: {  	_ =	shalt  }
0x58: {  	_ =	shalt  }
0x59: {  	_ =	shalt  }
0x5a: {  	_ =	shalt  }
0x5b: {  	_ =	shalt  }
0x5c: {  	_ =	shalt  }
0x5d: {  	_ =	shalt  }
0x5e: {  	_ =	shalt  }
0x5f: {  	_ =	shalt  }
0x60: {  	_ =	shalt  }
0x61: {  	_ =	shalt  }
0x62: {  	_ =	shalt  }
0x63: {  	_ =	shalt  }
0x64: {  	_ =	shalt  }
0x65: {  	_ =	shalt  }
0x66: {  	_ =	shalt  }
0x67: {  	_ =	shalt  }
0x68: {  	_ =	shalt  }
0x69: {  	_ =	shalt  }
0x6a: {  	_ =	shalt  }
0x6b: {  	_ =	shalt  }
0x6c: {  	_ =	shalt  }
0x6d: {  	_ =	shalt  }
0x6e: {  	_ =	shalt  }
0x6f: {  	_ =	shalt  }
0x70: {  	_ =	shalt  }
0x71: {  	_ =	shalt  }
0x72: {  	_ =	shalt  }
0x73: {  	_ =	shalt  }
0x74: {  	_ =	shalt  }
0x75: {  	_ =	shalt  }
0x76: {  	_ =	shalt  }
0x77: {  	_ =	shalt  }
0x78: {  	_ =	shalt  }
0x79: {  	_ =	shalt  }
0x7a: {  	_ =	shalt  }
0x7b: {  	_ =	shalt  }
0x7c: {  	_ =	shalt  }
0x7d: {  	_ =	shalt  }
0x7e: {  	_ =	shalt  }
0x7f: {  	_ =	shalt  }
0x80: {  	_ =	shalt  }
0x81: {  	_ =	shalt  }
0x82: {  	_ =	shalt  }
0x83: {  	_ =	shalt  }
0x84: {  	_ =	shalt  }
0x85: {  	_ =	shalt  }
0x86: {  	_ =	shalt  }
0x87: {  	_ =	shalt  }
.Lfunc_end0:
.L_simem_size_0:
called_computation_lowered:
.L_overlay_start_0:
0x88: {  	s2 =	sld [smem:$0x3FD9]  }
0x89: {  	s3 =	sld [smem:$0x3FFE];
	_ =	sdelay $0x1  }
0x8a: {  	s1 =	srdreg.scid  }
0x8b: {  	s0 =	sand.u32 $0x1, s1  }
0x8c: {  	s14 =	sshll.u32 s0, $0xA;
	s2 =	sadd.s32 s3, s2  }
0x8d: {  	s2 =	sadd.s32 s2, s14  }
0x8e: {  	[smem:$0x3FB8] =	sst s2  }
0x8f: {  	_ = 	snop  }
0x90: {  	s2 =	sld [smem:$0x3FD0];
	_ =	sdelay $0x2  }
0x91: {  	s15 =	simm.s32 $0xA;
	s4 =	simm.s32 $0x10  }
0x92: {  	[smem:s4], [sflag:s15] =	dma.local [hbm:s2], $0x1  }
0x93: {  	_ =	swait.eq [sflag:s15], $0x1  }
0x94: {  	[sflag:s15] =	ssyncset.done $0x0  }
0x95: {  	[sflag:s15] =	ssyncadd.s32 $0xFFFFFFFF  }
0x96: {  	s16 =	sld [smem:$0x11];
	(tm) =	ssettm $0x1  }
0x97: {  	s17 =	sld [smem:$0x3FFB];
	_ =	sdelay $0x3  }
0x98: {  	_ =	strace s17  }
0x99: {  	s3 =	sld [smem:$0x3FFC];
	_ =	sdelay $0x3  }
0x9a: {  	_ =	strace s3  }
0x9b: {  	s3 =	sld [smem:$0x3FFD];
	_ =	sdelay $0x3  }
0x9c: {  	_ =	strace s3  }
0x9d: {  	_ =	strace $0x8FFFFFFF  }
0x9e: {  	s18 =	sld [smem:$0x3FDB];
	_ =	sdelay $0x1  }
0x9f: {  	s19 =	simm.s32 $_scs_section_size  }
0xa0: {  	s5 =	simm.s32 $_size__tile_overlayer_lowered;
	s6 =	simm.s32 $_tile_overlayer_lowered  }
0xa1: {  	s22 =	simm.s32 $0x1BFF;
	s21 =	sshll.u32 s6, $0x1;
	s3 =	sadd.s32 s19, s18  }
0xa2: {  	s7 =	simm.s32 $0x0;
	s20 =	sshll.u32 s5, $0x1;
	s5 =	sadd.s32 s21, s3  }
0xa3: {  	[timem:s7], [sflag:s22] =	dma.local [hbm:s5], s20  }
0xa4: {  	_ =	swait.ge [sflag:s22], s20  }
0xa5: {  	s4 =	ssub.s32 $0x0, s20;
	[sflag:s22] =	ssyncset.done $0x0  }
0xa6: {  	[sflag:s22] =	ssyncadd.s32 s4;
	_ =	sdelay $0x1  }
0xa7: {  	s23 =	simm.s32 $0x1B8B  }
0xa8: {  	_ =	swait.ge [sflag:s23], $0x1  }
0xa9: {  	[sflag:s23] =	ssyncset.done $0x0  }
0xaa: {  	s25 =	simm.s32 $0x1B8E;
	s24 =	sld [smem:$0x3FFE];
	[sflag:s23] =	ssyncadd.s32 $0xFFFFFFFF  }
0xab: {  	s26 =	simm.s32 $execute0_lowered;
	[smem:$0x3FD2] =	sst s25  }
0xac: {  	s5 =	sshll.u32 s26, $0x1;
	_ =	strace $0x80000046;
	[dreg:$0x1] =	wrdreg $0xFFFFFFFF  }
0xad: {  	s28 =	simm.s32 $_size_execute0_lowered;
	s3 =	sadd.s32 s3, s5;
	[dreg:$0x0] =	wrdreg $0x0  }
0xae: {  	s5 =	sshll.u32 s28, $0x1;
	[dreg:$0x2] =	wrdreg s3  }
0xaf: {  	[dreg:$0x3] =	wrdreg s5  }
0xb0: {  	[dreg:$0x4] =	wrdreg $0xC0  }
0xb1: {  	_ =	task [dreg:s7], $0x5FFFF  }
0xb2: {  	[dreg:$0x1] =	wrdreg $0xFFFFFFFF  }
0xb3: {  	[dreg:$0x0] =	wrdreg $0x60  }
0xb4: {  	[dreg:$0x2] =	wrdreg s24  }
0xb5: {  	[dreg:$0x3] =	wrdreg s16  }
0xb6: {  	[dreg:$0x4] =	wrdreg $0x9  }
0xb7: {  	_ =	task.clear_ibuf [dreg:s7], $0x5FFFF;
	_ =	strace $0x90000046  }
0xb8: {  	s29 =	simm.s32 $0x9;
	_ =	strace $0x80000048  }
0xb9: {  	_ =	swait.ge [sflag:s29], $0x1  }
0xba: {  	[sflag:s29] =	ssyncadd.s32 $0xFFFFFFFF  }
0xbb: {  	_ =	strace $0x90000048  }
0xbc: {  	_ =	sfence  }
0xbd: {  	s30 =	sld [smem:$0x0];
	_ =	sdelay $0x2  }
0xbe: {  	s31 =	sshll.u32 s1, $0xD;
	s1 =	sshrl.u32 s1, $0x2  }
0xbf: {  	s3 =	sand.u32 $0x4000, s31;
	s1 =	sadd.s32 s1, s30  }
0xc0: {  	s0 =	sor.u32 s3, s0;
	s1 =	sshll.u32 s1, $0x11  }
0xc1: {  	s0 =	sor.u32 s1, s0  }
0xc2: {  	s0 =	sadd.s32 $0x8F2B, s0  }
0xc3: {  	[sflag:s0] =	ssyncadd.remote.s32 $0x1  }
0xc4: {  	_ =	sfence.sel $0xFFFF  }
0xc5: {  	[dreg:$0x0] =	wrdreg $0xFFFFFFFF;
	(pc) =	sbr.abs _section_cstart, $3  }
0xc6: {  	[dreg:$0x1] =	wrdreg $0xFFFFFFFF  }
0xc7: {  	_ =	task.clear_ibuf [dreg:s7], $0x2FFFF;
	_ =	strace $0x9FFFFFFF  }
0xc8: {  	(tm) =	ssettm $0x7FFFFFFF  }
0xc9: {  	_ =	shalt  }
tec
execute0_lowered:
.L_overlay_start_1:
0x0: {  	(tag) =	ssettag $0x1  }
0x1: {  	s1 =	srdreg.scid  }
0x2: {  	s0 =	stileid.u32;
	s1 =	sand.u32 $0x1, s1  }
0x3: {  	s4 =	rddreg [dreg:$0x0];
	s5 =	sshll.u32 s0, $0xE;
	s6 =	sshll.u32 s1, $0xD  }
0x4: {  	s3 =	rddreg [dreg:$0x1];
	s5 =	sor.u32 s6, s5  }
0x5: {  	s2 =	simm.s32 $0x0;
	s6 =	sshll.u32 s5, $0x3;
	s5 =	sshrl.u32 s5, $0x3  }
0x6: {  	[smem:$0x7FF] =	sst s2;
	s31 =	sadd.s32 s6, s4;
	s3 =	sadd.s32 s3, s5  }
0x7: {  	_ =	strace $0x80000047;
	[dreg:$0x3] =	wrdreg s3;
	s17 =	sadd.s32 $0x145600, s31  }
0x8: {  	s18 =	sadd.s32 $0x146600, s31;
	[dreg:$0x4] =	wrdreg s17  }
0x9: {  	s19 =	sadd.s32 $0x147600, s31;
	[dreg:$0x5] =	wrdreg s18  }
0xa: {  	s20 =	sadd.s32 $0x148600, s31;
	[dreg:$0x6] =	wrdreg s19  }
0xb: {  	s21 =	sadd.s32 $0x149600, s31;
	[dreg:$0x7] =	wrdreg s20  }
0xc: {  	s22 =	sadd.s32 $0x14A600, s31;
	[dreg:$0x8] =	wrdreg s21  }
0xd: {  	s23 =	sadd.s32 $0x14B600, s31;
	[dreg:$0x9] =	wrdreg s22  }
0xe: {  	[dreg:$0xa] =	wrdreg s23  }
0xf: {  	s24 =	sadd.s32 $0x14C600, s31;
	s25 =	rddreg [dreg:$0x3]  }
0x10: {  	s26 =	sadd.s32 $0x14D600, s31;
	[dreg:$0xb] =	wrdreg s24  }
0x11: {  	s3 =	simm.s32 $0x3;
	[dreg:$0xc] =	wrdreg s26  }
0x12: {  	[tilespmem:s2], [sflag:$0x3] =	stream.linear.gather [hbm4b:s25+s2], $0x2000, $0x38;
	[tilespmem:$0x12000] =	vst v63  }
0x13: {  	_ =	swait.ge [sflag:s3], $0x2000  }
0x14: {  	s4 =	sadd.s32 $0x45600, s4;
	[sflag:s3] =	ssyncset.done $0x0  }
0x15: {  	s5 =	simm.s32 $0x200;
	s6 =	simm.s32 $0x2000;
	[sflag:s3] =	ssyncadd.s32 $0xFFFFE000  }
0x16: {  	[tilespmem:s6], [sflag:$0x1] =	stream.indirect.gather [hbm4b:s4+s5], $0x40, s2, s5, $0xb8;
	[tilespmem:$0x12000] =	vst v63  }
0x17: {  	s7 =	simm.s32 $0xA000;
	s8 =	simm.s32 $0x1  }
0x18: {  	[tilespmem:s7], [sflag:$0x2] =	stream.indirect.gather [hbm4b:s4+s5], $0x40, s5, s5, $0xb8;
	[tilespmem:$0x12000] =	vst v63  }
0x19: {  	_ =	swait.ge [sflag:s8], $0x8000  }
0x1a: {  	[sflag:s8] =	ssyncset.done $0x0  }
0x1b: {  	s9 =	rddreg [dreg:$0x4];
	[sflag:s8] =	ssyncadd.s32 $0xFFFF8000  }
0x1c: {  	[hbm4b:s9+s2] =	stream.linear.scatter [tilespmem:s6], [sflag:$0x3], $0x8000, $0x38;
	[tilespmem:$0x12000] =	vst v63  }
0x1d: {  	_ =	swait.ge [sflag:s3], $0x8000  }
0x1e: {  	[sflag:s3] =	ssyncset.done $0x0  }
0x1f: {  	s10 =	simm.s32 $0x2;
	s9 =	simm.s32 $0x400;
	[sflag:s3] =	ssyncadd.s32 $0xFFFF8000  }
0x20: {  	[tilespmem:s6], [sflag:$0x1] =	stream.indirect.gather [hbm4b:s4+s5], $0x40, s9, s5, $0xb8;
	[tilespmem:$0x12000] =	vst v63  }
0x21: {  	_ =	swait.ge [sflag:s10], $0x8000  }
0x22: {  	[sflag:s10] =	ssyncset.done $0x0  }
0x23: {  	s11 =	rddreg [dreg:$0x5];
	[sflag:s10] =	ssyncadd.s32 $0xFFFF8000  }
0x24: {  	[hbm4b:s11+s2] =	stream.linear.scatter [tilespmem:s7], [sflag:$0x3], $0x8000, $0x38;
	[tilespmem:$0x12000] =	vst v63  }
0x25: {  	_ =	swait.ge [sflag:s3], $0x8000  }
0x26: {  	[sflag:s3] =	ssyncset.done $0x0  }
0x27: {  	s11 =	simm.s32 $0x600;
	[sflag:s3] =	ssyncadd.s32 $0xFFFF8000  }
0x28: {  	[tilespmem:s7], [sflag:$0x2] =	stream.indirect.gather [hbm4b:s4+s5], $0x40, s11, s5, $0xb8;
	[tilespmem:$0x12000] =	vst v63  }
0x29: {  	_ =	swait.ge [sflag:s8], $0x8000  }
0x2a: {  	[sflag:s8] =	ssyncset.done $0x0  }
0x2b: {  	s12 =	rddreg [dreg:$0x6];
	[sflag:s8] =	ssyncadd.s32 $0xFFFF8000  }
0x2c: {  	[hbm4b:s12+s2] =	stream.linear.scatter [tilespmem:s6], [sflag:$0x3], $0x8000, $0x38;
	[tilespmem:$0x12000] =	vst v63  }
0x2d: {  	_ =	swait.ge [sflag:s3], $0x8000  }
0x2e: {  	[sflag:s3] =	ssyncset.done $0x0  }
0x2f: {  	s12 =	simm.s32 $0x800;
	[sflag:s3] =	ssyncadd.s32 $0xFFFF8000  }
0x30: {  	[tilespmem:s6], [sflag:$0x1] =	stream.indirect.gather [hbm4b:s4+s5], $0x40, s12, s5, $0xb8;
	[tilespmem:$0x12000] =	vst v63  }
0x31: {  	_ =	swait.ge [sflag:s10], $0x8000  }
0x32: {  	[sflag:s10] =	ssyncset.done $0x0  }
0x33: {  	s13 =	rddreg [dreg:$0x7];
	[sflag:s10] =	ssyncadd.s32 $0xFFFF8000  }
0x34: {  	[hbm4b:s13+s2] =	stream.linear.scatter [tilespmem:s7], [sflag:$0x3], $0x8000, $0x38;
	[tilespmem:$0x12000] =	vst v63  }
0x35: {  	_ =	swait.ge [sflag:s3], $0x8000  }
0x36: {  	[sflag:s3] =	ssyncset.done $0x0  }
0x37: {  	s13 =	simm.s32 $0xA00;
	[sflag:s3] =	ssyncadd.s32 $0xFFFF8000  }
0x38: {  	[tilespmem:s7], [sflag:$0x2] =	stream.indirect.gather [hbm4b:s4+s5], $0x40, s13, s5, $0xb8;
	[tilespmem:$0x12000] =	vst v63  }
0x39: {  	_ =	swait.ge [sflag:s8], $0x8000  }
0x3a: {  	[sflag:s8] =	ssyncset.done $0x0  }
0x3b: {  	s14 =	rddreg [dreg:$0x8];
	[sflag:s8] =	ssyncadd.s32 $0xFFFF8000  }
0x3c: {  	[hbm4b:s14+s2] =	stream.linear.scatter [tilespmem:s6], [sflag:$0x3], $0x8000, $0x38;
	[tilespmem:$0x12000] =	vst v63  }
0x3d: {  	_ =	swait.ge [sflag:s3], $0x8000  }
0x3e: {  	[sflag:s3] =	ssyncset.done $0x0  }
0x3f: {  	s14 =	simm.s32 $0xC00;
	[sflag:s3] =	ssyncadd.s32 $0xFFFF8000  }
0x40: {  	[tilespmem:s6], [sflag:$0x1] =	stream.indirect.gather [hbm4b:s4+s5], $0x40, s14, s5, $0xb8;
	[tilespmem:$0x12000] =	vst v63  }
0x41: {  	_ =	swait.ge [sflag:s10], $0x8000  }
0x42: {  	[sflag:s10] =	ssyncset.done $0x0  }
0x43: {  	s15 =	rddreg [dreg:$0x9];
	[sflag:s10] =	ssyncadd.s32 $0xFFFF8000  }
0x44: {  	[hbm4b:s15+s2] =	stream.linear.scatter [tilespmem:s7], [sflag:$0x3], $0x8000, $0x38;
	[tilespmem:$0x12000] =	vst v63  }
0x45: {  	_ =	swait.ge [sflag:s3], $0x8000  }
0x46: {  	[sflag:s3] =	ssyncset.done $0x0  }
0x47: {  	s15 =	simm.s32 $0xE00;
	[sflag:s3] =	ssyncadd.s32 $0xFFFF8000  }
0x48: {  	[tilespmem:s7], [sflag:$0x2] =	stream.indirect.gather [hbm4b:s4+s5], $0x40, s15, s5, $0xb8;
	[tilespmem:$0x12000] =	vst v63  }
0x49: {  	_ =	swait.ge [sflag:s8], $0x8000  }
0x4a: {  	[sflag:s8] =	ssyncset.done $0x0  }
0x4b: {  	s16 =	rddreg [dreg:$0xa];
	[sflag:s8] =	ssyncadd.s32 $0xFFFF8000  }
0x4c: {  	[hbm4b:s16+s2] =	stream.linear.scatter [tilespmem:s6], [sflag:$0x3], $0x8000, $0x38;
	[tilespmem:$0x12000] =	vst v63  }
0x4d: {  	_ =	swait.ge [sflag:s3], $0x8000  }
0x4e: {  	[sflag:s3] =	ssyncset.done $0x0  }
0x4f: {  	s16 =	simm.s32 $0x1000;
	[sflag:s3] =	ssyncadd.s32 $0xFFFF8000  }
0x50: {  	[tilespmem:s6], [sflag:$0x1] =	stream.indirect.gather [hbm4b:s4+s5], $0x40, s16, s5, $0xb8;
	[tilespmem:$0x12000] =	vst v63  }
0x51: {  	_ =	swait.ge [sflag:s10], $0x8000  }
0x52: {  	[sflag:s10] =	ssyncset.done $0x0  }
0x53: {  	s17 =	rddreg [dreg:$0xb];
	[sflag:s10] =	ssyncadd.s32 $0xFFFF8000  }
0x54: {  	[hbm4b:s17+s2] =	stream.linear.scatter [tilespmem:s7], [sflag:$0x3], $0x8000, $0x38;
	[tilespmem:$0x12000] =	vst v63  }
0x55: {  	_ =	swait.ge [sflag:s3], $0x8000  }
0x56: {  	[sflag:s3] =	ssyncset.done $0x0  }
0x57: {  	s17 =	simm.s32 $0x1200;
	[sflag:s3] =	ssyncadd.s32 $0xFFFF8000  }
0x58: {  	[tilespmem:s7], [sflag:$0x2] =	stream.indirect.gather [hbm4b:s4+s5], $0x40, s17, s5, $0xb8;
	[tilespmem:$0x12000] =	vst v63  }
0x59: {  	_ =	swait.ge [sflag:s8], $0x8000  }
0x5a: {  	[sflag:s8] =	ssyncset.done $0x0  }
0x5b: {  	s18 =	rddreg [dreg:$0xc];
	[sflag:s8] =	ssyncadd.s32 $0xFFFF8000  }
0x5c: {  	[hbm4b:s18+s2] =	stream.linear.scatter [tilespmem:s6], [sflag:$0x3], $0x8000, $0x38;
	[tilespmem:$0x12000] =	vst v63  }
0x5d: {  	_ =	swait.ge [sflag:s3], $0x8000  }
0x5e: {  	[sflag:s3] =	ssyncset.done $0x0  }
0x5f: {  	s18 =	simm.s32 $0x1400;
	[sflag:s3] =	ssyncadd.s32 $0xFFFF8000  }
0x60: {  	[tilespmem:s6], [sflag:$0x1] =	stream.indirect.gather [hbm4b:s4+s5], $0x40, s18, s5, $0xb8;
	[tilespmem:$0x12000] =	vst v63  }
0x61: {  	_ =	swait.ge [sflag:s10], $0x8000  }
0x62: {  	[sflag:s10] =	ssyncset.done $0x0  }
0x63: {  	s19 =	sadd.s32 $0x14E600, s31;
	[sflag:s10] =	ssyncadd.s32 $0xFFFF8000  }
0x64: {  	[hbm4b:s19+s2] =	stream.linear.scatter [tilespmem:s7], [sflag:$0x3], $0x8000, $0x38;
	[tilespmem:$0x12000] =	vst v63  }
0x65: {  	_ =	swait.ge [sflag:s3], $0x8000  }
0x66: {  	[sflag:s3] =	ssyncset.done $0x0  }
0x67: {  	s20 =	simm.s32 $0x1600;
	[sflag:s3] =	ssyncadd.s32 $0xFFFF8000  }
0x68: {  	[tilespmem:s7], [sflag:$0x2] =	stream.indirect.gather [hbm4b:s4+s5], $0x40, s20, s5, $0xb8;
	[tilespmem:$0x12000] =	vst v63  }
0x69: {  	_ =	swait.ge [sflag:s8], $0x8000  }
0x6a: {  	[sflag:s8] =	ssyncset.done $0x0  }
0x6b: {  	s21 =	sadd.s32 $0x14F600, s31;
	[sflag:s8] =	ssyncadd.s32 $0xFFFF8000  }
0x6c: {  	[hbm4b:s21+s2] =	stream.linear.scatter [tilespmem:s6], [sflag:$0x3], $0x8000, $0x38;
	[tilespmem:$0x12000] =	vst v63  }
0x6d: {  	_ =	swait.ge [sflag:s3], $0x8000  }
0x6e: {  	[sflag:s3] =	ssyncset.done $0x0  }
0x6f: {  	s22 =	simm.s32 $0x1800;
	[sflag:s3] =	ssyncadd.s32 $0xFFFF8000  }
0x70: {  	[tilespmem:s6], [sflag:$0x1] =	stream.indirect.gather [hbm4b:s4+s5], $0x40, s22, s5, $0xb8;
	[tilespmem:$0x12000] =	vst v63  }
0x71: {  	_ =	swait.ge [sflag:s10], $0x8000  }
0x72: {  	[sflag:s10] =	ssyncset.done $0x0  }
0x73: {  	s23 =	sadd.s32 $0x150600, s31;
	[sflag:s10] =	ssyncadd.s32 $0xFFFF8000  }
0x74: {  	[hbm4b:s23+s2] =	stream.linear.scatter [tilespmem:s7], [sflag:$0x3], $0x8000, $0x38;
	[tilespmem:$0x12000] =	vst v63  }
0x75: {  	_ =	swait.ge [sflag:s3], $0x8000  }
0x76: {  	[sflag:s3] =	ssyncset.done $0x0  }
0x77: {  	s24 =	simm.s32 $0x1A00;
	[sflag:s3] =	ssyncadd.s32 $0xFFFF8000  }
0x78: {  	[tilespmem:s7], [sflag:$0x2] =	stream.indirect.gather [hbm4b:s4+s5], $0x40, s24, s5, $0xb8;
	[tilespmem:$0x12000] =	vst v63  }
0x79: {  	_ =	swait.ge [sflag:s8], $0x8000  }
0x7a: {  	[sflag:s8] =	ssyncset.done $0x0  }
0x7b: {  	s25 =	sadd.s32 $0x151600, s31;
	[sflag:s8] =	ssyncadd.s32 $0xFFFF8000  }
0x7c: {  	[hbm4b:s25+s2] =	stream.linear.scatter [tilespmem:s6], [sflag:$0x3], $0x8000, $0x38;
	[tilespmem:$0x12000] =	vst v63  }
0x7d: {  	_ =	swait.ge [sflag:s3], $0x8000  }
0x7e: {  	[sflag:s3] =	ssyncset.done $0x0  }
0x7f: {  	s26 =	simm.s32 $0x1C00;
	[sflag:s3] =	ssyncadd.s32 $0xFFFF8000  }
0x80: {  	[tilespmem:s6], [sflag:$0x1] =	stream.indirect.gather [hbm4b:s4+s5], $0x40, s26, s5, $0xb8;
	[tilespmem:$0x12000] =	vst v63  }
0x81: {  	_ =	swait.ge [sflag:s10], $0x8000  }
0x82: {  	[sflag:s10] =	ssyncset.done $0x0  }
0x83: {  	s28 =	sadd.s32 $0x152600, s31;
	[sflag:s10] =	ssyncadd.s32 $0xFFFF8000  }
0x84: {  	[hbm4b:s28+s2] =	stream.linear.scatter [tilespmem:s7], [sflag:$0x3], $0x8000, $0x38;
	[tilespmem:$0x12000] =	vst v63  }
0x85: {  	_ =	swait.ge [sflag:s3], $0x8000  }
0x86: {  	[sflag:s3] =	ssyncset.done $0x0  }
0x87: {  	s29 =	simm.s32 $0x1E00;
	[sflag:s3] =	ssyncadd.s32 $0xFFFF8000  }
0x88: {  	[tilespmem:s7], [sflag:$0x2] =	stream.indirect.gather [hbm4b:s4+s5], $0x40, s29, s5, $0xb8;
	[tilespmem:$0x12000] =	vst v63  }
0x89: {  	_ =	swait.ge [sflag:s8], $0x8000  }
0x8a: {  	s1 =	ssub.s32 $0x2, s1;
	[sflag:s8] =	ssyncset.done $0x0  }
0x8b: {  	s0 =	sshrl.u32 s1, $0x1;
	s30 =	sadd.s32 $0x153600, s31;
	[sflag:s8] =	ssyncadd.s32 $0xFFFF8000  }
0x8c: {  	[hbm4b:s30+s2] =	stream.linear.scatter [tilespmem:s6], [sflag:$0x3], $0x8000, $0x38;
	[tilespmem:$0x12000] =	vst v63  }
0x8d: {  	s0 =	ssub.s32 s1, s0;
	_ =	swait.ge [sflag:s3], $0x8000  }
0x8e: {  	s0 =	smax.u32 s0, $0x1;
	[sflag:s3] =	ssyncset.done $0x0  }
0x8f: {  	p0 =	sne.s32 s0, $0x1;
	[sflag:s3] =	ssyncadd.s32 $0xFFFF8000  }
.Ltmp0:
0x90: {  	_ =	swait.ge [sflag:s10], $0x8000;
	(pc) =	sbr.rel @!p0 .LBB2_2-.Ltmp0, $4  }
0x91: {  	[sflag:s10] =	ssyncset.done $0x0  }
0x92: {  	s31 =	sadd.s32 $0x154600, s31;
	[sflag:s10] =	ssyncadd.s32 $0xFFFF8000  }
0x93: {  	[hbm4b:s31+s2] =	stream.linear.scatter [tilespmem:s7], [sflag:$0x3], $0x8000, $0x38;
	[tilespmem:$0x12000] =	vst v63  }
0x94: {  	s1 =	sadd.s32 $0xFFFFFFFF, s0;
	_ =	swait.ge [sflag:s3], $0x8000  }
.LBB2_1:
0x95: {  	[sflag:s3] =	ssyncset.done $0x0  }
0x96: {  	s0 =	rddreg [dreg:$0x3];
	[sflag:s3] =	ssyncadd.s32 $0xFFFF8000  }
0x97: {  	[tilespmem:s2], [sflag:$0x3] =	stream.linear.gather [hbm4b:s0+s2], $0x2000, $0x38;
	[tilespmem:$0x12000] =	vst v63  }
0x98: {  	_ =	swait.ge [sflag:s3], $0x2000  }
0x99: {  	[sflag:s3] =	ssyncset.done $0x0  }
0x9a: {  	[sflag:s3] =	ssyncadd.s32 $0xFFFFE000  }
0x9b: {  	[tilespmem:s6], [sflag:$0x1] =	stream.indirect.gather [hbm4b:s4+s5], $0x40, s2, s5, $0xb8;
	[tilespmem:$0x12000] =	vst v63  }
0x9c: {  	_ = 	snop  }
0x9d: {  	[tilespmem:s7], [sflag:$0x2] =	stream.indirect.gather [hbm4b:s4+s5], $0x40, s5, s5, $0xb8;
	[tilespmem:$0x12000] =	vst v63  }
0x9e: {  	_ =	swait.ge [sflag:s8], $0x8000  }
0x9f: {  	[sflag:s8] =	ssyncset.done $0x0  }
0xa0: {  	s0 =	rddreg [dreg:$0x4];
	[sflag:s8] =	ssyncadd.s32 $0xFFFF8000  }
0xa1: {  	[hbm4b:s0+s2] =	stream.linear.scatter [tilespmem:s6], [sflag:$0x3], $0x8000, $0x38;
	[tilespmem:$0x12000] =	vst v63  }
0xa2: {  	_ =	swait.ge [sflag:s3], $0x8000  }
0xa3: {  	[sflag:s3] =	ssyncset.done $0x0  }
0xa4: {  	[sflag:s3] =	ssyncadd.s32 $0xFFFF8000  }
0xa5: {  	[tilespmem:s6], [sflag:$0x1] =	stream.indirect.gather [hbm4b:s4+s5], $0x40, s9, s5, $0xb8;
	[tilespmem:$0x12000] =	vst v63  }
0xa6: {  	_ =	swait.ge [sflag:s10], $0x8000  }
0xa7: {  	[sflag:s10] =	ssyncset.done $0x0  }
0xa8: {  	s0 =	rddreg [dreg:$0x5];
	[sflag:s10] =	ssyncadd.s32 $0xFFFF8000  }
0xa9: {  	[hbm4b:s0+s2] =	stream.linear.scatter [tilespmem:s7], [sflag:$0x3], $0x8000, $0x38;
	[tilespmem:$0x12000] =	vst v63  }
0xaa: {  	_ =	swait.ge [sflag:s3], $0x8000  }
0xab: {  	[sflag:s3] =	ssyncset.done $0x0  }
0xac: {  	[sflag:s3] =	ssyncadd.s32 $0xFFFF8000  }
0xad: {  	[tilespmem:s7], [sflag:$0x2] =	stream.indirect.gather [hbm4b:s4+s5], $0x40, s11, s5, $0xb8;
	[tilespmem:$0x12000] =	vst v63  }
0xae: {  	_ =	swait.ge [sflag:s8], $0x8000  }
0xaf: {  	[sflag:s8] =	ssyncset.done $0x0  }
0xb0: {  	s0 =	rddreg [dreg:$0x6];
	[sflag:s8] =	ssyncadd.s32 $0xFFFF8000  }
0xb1: {  	[hbm4b:s0+s2] =	stream.linear.scatter [tilespmem:s6], [sflag:$0x3], $0x8000, $0x38;
	[tilespmem:$0x12000] =	vst v63  }
0xb2: {  	_ =	swait.ge [sflag:s3], $0x8000  }
0xb3: {  	[sflag:s3] =	ssyncset.done $0x0  }
0xb4: {  	[sflag:s3] =	ssyncadd.s32 $0xFFFF8000  }
0xb5: {  	[tilespmem:s6], [sflag:$0x1] =	stream.indirect.gather [hbm4b:s4+s5], $0x40, s12, s5, $0xb8;
	[tilespmem:$0x12000] =	vst v63  }
0xb6: {  	_ =	swait.ge [sflag:s10], $0x8000  }
0xb7: {  	[sflag:s10] =	ssyncset.done $0x0  }
0xb8: {  	s0 =	rddreg [dreg:$0x7];
	[sflag:s10] =	ssyncadd.s32 $0xFFFF8000  }
0xb9: {  	[hbm4b:s0+s2] =	stream.linear.scatter [tilespmem:s7], [sflag:$0x3], $0x8000, $0x38;
	[tilespmem:$0x12000] =	vst v63  }
0xba: {  	_ =	swait.ge [sflag:s3], $0x8000  }
0xbb: {  	[sflag:s3] =	ssyncset.done $0x0  }
0xbc: {  	[sflag:s3] =	ssyncadd.s32 $0xFFFF8000  }
0xbd: {  	[tilespmem:s7], [sflag:$0x2] =	stream.indirect.gather [hbm4b:s4+s5], $0x40, s13, s5, $0xb8;
	[tilespmem:$0x12000] =	vst v63  }
0xbe: {  	_ =	swait.ge [sflag:s8], $0x8000  }
0xbf: {  	[sflag:s8] =	ssyncset.done $0x0  }
0xc0: {  	s0 =	rddreg [dreg:$0x8];
	[sflag:s8] =	ssyncadd.s32 $0xFFFF8000  }
0xc1: {  	[hbm4b:s0+s2] =	stream.linear.scatter [tilespmem:s6], [sflag:$0x3], $0x8000, $0x38;
	[tilespmem:$0x12000] =	vst v63  }
0xc2: {  	_ =	swait.ge [sflag:s3], $0x8000  }
0xc3: {  	[sflag:s3] =	ssyncset.done $0x0  }
0xc4: {  	[sflag:s3] =	ssyncadd.s32 $0xFFFF8000  }
0xc5: {  	[tilespmem:s6], [sflag:$0x1] =	stream.indirect.gather [hbm4b:s4+s5], $0x40, s14, s5, $0xb8;
	[tilespmem:$0x12000] =	vst v63  }
0xc6: {  	_ =	swait.ge [sflag:s10], $0x8000  }
0xc7: {  	[sflag:s10] =	ssyncset.done $0x0  }
0xc8: {  	s0 =	rddreg [dreg:$0x9];
	[sflag:s10] =	ssyncadd.s32 $0xFFFF8000  }
0xc9: {  	[hbm4b:s0+s2] =	stream.linear.scatter [tilespmem:s7], [sflag:$0x3], $0x8000, $0x38;
	[tilespmem:$0x12000] =	vst v63  }
0xca: {  	_ =	swait.ge [sflag:s3], $0x8000  }
0xcb: {  	[sflag:s3] =	ssyncset.done $0x0  }
0xcc: {  	[sflag:s3] =	ssyncadd.s32 $0xFFFF8000  }
0xcd: {  	[tilespmem:s7], [sflag:$0x2] =	stream.indirect.gather [hbm4b:s4+s5], $0x40, s15, s5, $0xb8;
	[tilespmem:$0x12000] =	vst v63  }
0xce: {  	_ =	swait.ge [sflag:s8], $0x8000  }
0xcf: {  	[sflag:s8] =	ssyncset.done $0x0  }
0xd0: {  	s0 =	rddreg [dreg:$0xa];
	[sflag:s8] =	ssyncadd.s32 $0xFFFF8000  }
0xd1: {  	[hbm4b:s0+s2] =	stream.linear.scatter [tilespmem:s6], [sflag:$0x3], $0x8000, $0x38;
	[tilespmem:$0x12000] =	vst v63  }
0xd2: {  	_ =	swait.ge [sflag:s3], $0x8000  }
0xd3: {  	[sflag:s3] =	ssyncset.done $0x0  }
0xd4: {  	[sflag:s3] =	ssyncadd.s32 $0xFFFF8000  }
0xd5: {  	[tilespmem:s6], [sflag:$0x1] =	stream.indirect.gather [hbm4b:s4+s5], $0x40, s16, s5, $0xb8;
	[tilespmem:$0x12000] =	vst v63  }
0xd6: {  	_ =	swait.ge [sflag:s10], $0x8000  }
0xd7: {  	[sflag:s10] =	ssyncset.done $0x0  }
0xd8: {  	s0 =	rddreg [dreg:$0xb];
	[sflag:s10] =	ssyncadd.s32 $0xFFFF8000  }
0xd9: {  	[hbm4b:s0+s2] =	stream.linear.scatter [tilespmem:s7], [sflag:$0x3], $0x8000, $0x38;
	[tilespmem:$0x12000] =	vst v63  }
0xda: {  	_ =	swait.ge [sflag:s3], $0x8000  }
0xdb: {  	[sflag:s3] =	ssyncset.done $0x0  }
0xdc: {  	[sflag:s3] =	ssyncadd.s32 $0xFFFF8000  }
0xdd: {  	[tilespmem:s7], [sflag:$0x2] =	stream.indirect.gather [hbm4b:s4+s5], $0x40, s17, s5, $0xb8;
	[tilespmem:$0x12000] =	vst v63  }
0xde: {  	_ =	swait.ge [sflag:s8], $0x8000  }
0xdf: {  	[sflag:s8] =	ssyncset.done $0x0  }
0xe0: {  	s0 =	rddreg [dreg:$0xc];
	[sflag:s8] =	ssyncadd.s32 $0xFFFF8000  }
0xe1: {  	[hbm4b:s0+s2] =	stream.linear.scatter [tilespmem:s6], [sflag:$0x3], $0x8000, $0x38;
	[tilespmem:$0x12000] =	vst v63  }
0xe2: {  	_ =	swait.ge [sflag:s3], $0x8000  }
0xe3: {  	[sflag:s3] =	ssyncset.done $0x0  }
0xe4: {  	[sflag:s3] =	ssyncadd.s32 $0xFFFF8000  }
0xe5: {  	[tilespmem:s6], [sflag:$0x1] =	stream.indirect.gather [hbm4b:s4+s5], $0x40, s18, s5, $0xb8;
	[tilespmem:$0x12000] =	vst v63  }
0xe6: {  	_ =	swait.ge [sflag:s10], $0x8000  }
0xe7: {  	[sflag:s10] =	ssyncset.done $0x0  }
0xe8: {  	[sflag:s10] =	ssyncadd.s32 $0xFFFF8000  }
0xe9: {  	[hbm4b:s19+s2] =	stream.linear.scatter [tilespmem:s7], [sflag:$0x3], $0x8000, $0x38;
	[tilespmem:$0x12000] =	vst v63  }
0xea: {  	_ =	swait.ge [sflag:s3], $0x8000  }
0xeb: {  	[sflag:s3] =	ssyncset.done $0x0  }
0xec: {  	[sflag:s3] =	ssyncadd.s32 $0xFFFF8000  }
0xed: {  	[tilespmem:s7], [sflag:$0x2] =	stream.indirect.gather [hbm4b:s4+s5], $0x40, s20, s5, $0xb8;
	[tilespmem:$0x12000] =	vst v63  }
0xee: {  	_ =	swait.ge [sflag:s8], $0x8000  }
0xef: {  	[sflag:s8] =	ssyncset.done $0x0  }
0xf0: {  	[sflag:s8] =	ssyncadd.s32 $0xFFFF8000  }
0xf1: {  	[hbm4b:s21+s2] =	stream.linear.scatter [tilespmem:s6], [sflag:$0x3], $0x8000, $0x38;
	[tilespmem:$0x12000] =	vst v63  }
0xf2: {  	_ =	swait.ge [sflag:s3], $0x8000  }
0xf3: {  	[sflag:s3] =	ssyncset.done $0x0  }
0xf4: {  	[sflag:s3] =	ssyncadd.s32 $0xFFFF8000  }
0xf5: {  	[tilespmem:s6], [sflag:$0x1] =	stream.indirect.gather [hbm4b:s4+s5], $0x40, s22, s5, $0xb8;
	[tilespmem:$0x12000] =	vst v63  }
0xf6: {  	_ =	swait.ge [sflag:s10], $0x8000  }
0xf7: {  	[sflag:s10] =	ssyncset.done $0x0  }
0xf8: {  	[sflag:s10] =	ssyncadd.s32 $0xFFFF8000  }
0xf9: {  	[hbm4b:s23+s2] =	stream.linear.scatter [tilespmem:s7], [sflag:$0x3], $0x8000, $0x38;
	[tilespmem:$0x12000] =	vst v63  }
0xfa: {  	_ =	swait.ge [sflag:s3], $0x8000  }
0xfb: {  	[sflag:s3] =	ssyncset.done $0x0  }
0xfc: {  	[sflag:s3] =	ssyncadd.s32 $0xFFFF8000  }
0xfd: {  	[tilespmem:s7], [sflag:$0x2] =	stream.indirect.gather [hbm4b:s4+s5], $0x40, s24, s5, $0xb8;
	[tilespmem:$0x12000] =	vst v63  }
0xfe: {  	_ =	swait.ge [sflag:s8], $0x8000  }
0xff: {  	[sflag:s8] =	ssyncset.done $0x0  }
0x100: {  	[sflag:s8] =	ssyncadd.s32 $0xFFFF8000  }
0x101: {  	[hbm4b:s25+s2] =	stream.linear.scatter [tilespmem:s6], [sflag:$0x3], $0x8000, $0x38;
	[tilespmem:$0x12000] =	vst v63  }
0x102: {  	_ =	swait.ge [sflag:s3], $0x8000  }
0x103: {  	[sflag:s3] =	ssyncset.done $0x0  }
0x104: {  	[sflag:s3] =	ssyncadd.s32 $0xFFFF8000  }
0x105: {  	[tilespmem:s6], [sflag:$0x1] =	stream.indirect.gather [hbm4b:s4+s5], $0x40, s26, s5, $0xb8;
	[tilespmem:$0x12000] =	vst v63  }
0x106: {  	_ =	swait.ge [sflag:s10], $0x8000  }
0x107: {  	[sflag:s10] =	ssyncset.done $0x0  }
0x108: {  	[sflag:s10] =	ssyncadd.s32 $0xFFFF8000  }
0x109: {  	[hbm4b:s28+s2] =	stream.linear.scatter [tilespmem:s7], [sflag:$0x3], $0x8000, $0x38;
	[tilespmem:$0x12000] =	vst v63  }
0x10a: {  	_ =	swait.ge [sflag:s3], $0x8000  }
0x10b: {  	[sflag:s3] =	ssyncset.done $0x0  }
0x10c: {  	[sflag:s3] =	ssyncadd.s32 $0xFFFF8000  }
0x10d: {  	[tilespmem:s7], [sflag:$0x2] =	stream.indirect.gather [hbm4b:s4+s5], $0x40, s29, s5, $0xb8;
	[tilespmem:$0x12000] =	vst v63  }
0x10e: {  	_ =	swait.ge [sflag:s8], $0x8000  }
0x10f: {  	[sflag:s8] =	ssyncset.done $0x0  }
0x110: {  	[sflag:s8] =	ssyncadd.s32 $0xFFFF8000  }
0x111: {  	[hbm4b:s30+s2] =	stream.linear.scatter [tilespmem:s6], [sflag:$0x3], $0x8000, $0x38;
	[tilespmem:$0x12000] =	vst v63  }
0x112: {  	_ =	swait.ge [sflag:s3], $0x8000  }
0x113: {  	[sflag:s3] =	ssyncset.done $0x0  }
0x114: {  	p0 =	sne.s32 s1, $0x1;
	[sflag:s3] =	ssyncadd.s32 $0xFFFF8000  }
.Ltmp1:
0x115: {  	_ =	swait.ge [sflag:s10], $0x8000;
	(pc) =	sbr.rel @p0 .LBB2_1-.Ltmp1, $4  }
0x116: {  	[sflag:s10] =	ssyncset.done $0x0  }
0x117: {  	[sflag:s10] =	ssyncadd.s32 $0xFFFF8000  }
0x118: {  	[hbm4b:s31+s2] =	stream.linear.scatter [tilespmem:s7], [sflag:$0x3], $0x8000, $0x38;
	[tilespmem:$0x12000] =	vst v63  }
0x119: {  	s1 =	sadd.s32 $0xFFFFFFFF, s1;
	_ =	swait.ge [sflag:s3], $0x8000  }
.LBB2_2:
0x11a: {  	[sflag:s3] =	ssyncset.done $0x0  }
0x11b: {  	[sflag:s3] =	ssyncadd.s32 $0xFFFF8000  }
0x11c: {  	_ =	sfence.sel $0x180000  }
0x11d: {  	[bflag:$0x0] =	sbarrier.arrive $0xFFFF  }
0x11e: {  	_ =	strace $0x90000047  }
0x11f: {  	s0 =	stileid.u32;
	[bflag:$0x2] =	sbarrier.arrive $0xFFFF  }
0x120: {  	p0 =	sne.s32 s0, $0x0;
	s0 =	rddreg [dreg:$0x2]  }
0x121: {  	s0 =	sadd.s32 @!p0 $0x100000, s0  }
0x122: {  	[sflag:s0] =	ssyncadd.tile.s32 @!p0 $0x1;
	_ =	shalt  }
.Lfunc_end2:
_tile_overlayer_lowered:
.L_overlay_start_2:
0x123: {  	(tag) =	ssettag $0x2  }
0x124: {  	s0 =	rddreg [dreg:$0x0];
	s2 =	stileid.u32  }
0x125: {  	s1 =	rddreg [dreg:$0x1];
	p0 =	sne.s32 s2, $0x0  }
0x126: {  	s3 =	rddreg [dreg:$0x2];
	[bflag:$0x3] =	sbarrier.arrive $0xFFFF;
	s2 =	simm.s32 @!p0 $0x1C03  }
0x127: {  	[timem:s3], [sflag:s2] =	dma.local @!p0 [hbm:s0], s1  }
0x128: {  	s0 =	simm.s32 @!p0 $0x3  }
0x129: {  	_ =	swait.ge @!p0 [sflag:s0], s1  }
0x12a: {  	s1 =	ssub.s32 @!p0 $0x0, s1;
	[sflag:s0] =	ssyncset.done @!p0 $0x0  }
0x12b: {  	[sflag:s0] =	ssyncadd.s32 @!p0 s1  }
0x12c: {  	[bflag:$0x3] =	sbarrier.arrive $0xFFFF  }
0x12d: {  	_ =	shalt  }

</sc_bundles>
